<compile_context>
chip_gen: v7x
topology: tpu7x:2x2x1
jax: 0.10.2.dev20260603
libtpu: 0.0.44.dev20260713+nightly
codegen_flags: <defaults>
</compile_context>

<pallas_src>
import jax
import jax.numpy as jnp
from jax import lax
from jax.experimental import pallas as pl
from jax.experimental.pallas import tpu as pltpu

WSZ = 256
TOKEN_SELF_ATTN_VALUE = -50000.0
MININT = -2147483648
NOT_SELECTED = 1 << 20
CPP = 4


def _excl_cumsum_cols(x, chunk=512):
    t = x.shape[0]
    r_i = lax.broadcasted_iota(jnp.int32, (chunk, chunk), 0)
    c_i = lax.broadcasted_iota(jnp.int32, (chunk, chunk), 1)
    lstrict = (c_i < r_i).astype(jnp.float32)
    carry = jnp.zeros((1, x.shape[1]), jnp.float32)
    outs = []
    for b0 in range(0, t, chunk):
        xb = lax.slice(x, (b0, 0), (b0 + chunk, x.shape[1]))
        outs.append(jnp.dot(lstrict, xb) + carry)
        carry = carry + jnp.sum(xb, axis=0, keepdims=True)
    return jnp.concatenate(outs, axis=0)


def _roll_left(x, s):
    n = x.shape[-1]
    s = s % n
    if s == 0:
        return x
    return jnp.concatenate(
        [lax.slice_in_dim(x, s, n, axis=1), lax.slice_in_dim(x, 0, s, axis=1)],
        axis=1)


def _route_kernel(qk_ref, v_ref, means_t_ref, ranksel_ref, count_ref,
                  qv_ref):
    t, d = qk_ref.shape[2], qk_ref.shape[3]
    wsz = WSZ
    nc = t // wsz

    qk = qk_ref[0, 0]
    means_t = means_t_ref[0]
    qv_ref[0, 0] = jnp.concatenate([qk, v_ref[0, 0]], axis=1)

    nrm = jnp.sqrt(jnp.sum(qk * qk, axis=1, keepdims=True))
    kn = qk / jnp.maximum(nrm, 1e-12)
    dists = jnp.dot(kn, means_t)

    u = lax.bitcast_convert_type(dists, jnp.int32)
    key = u ^ (lax.shift_right_arithmetic(u, 31) & jnp.int32(0x7FFFFFFF))

    tb = jnp.zeros((1, nc), jnp.int32)
    minint = jnp.int32(MININT)
    for bit in range(31, -1, -1):
        step = minint if bit == 31 else jnp.int32(1 << bit)
        try_b = tb + step
        t_signed = try_b ^ minint
        cnt = jnp.sum((key >= t_signed).astype(jnp.float32), axis=0,
                      keepdims=True)
        tb = jnp.where(cnt >= float(wsz), try_b, tb)
    thr = tb ^ minint

    gt = key > thr
    eq = key == thr
    n_gt = jnp.sum(gt.astype(jnp.float32), axis=0, keepdims=True)
    need = float(wsz) - n_gt
    eq_rank = _excl_cumsum_cols(eq.astype(jnp.float32))
    sel = gt | (eq & (eq_rank < need))
    sel_f = sel.astype(jnp.float32)
    rank = _excl_cumsum_cols(sel_f)

    ranksel = jnp.where(sel, rank.astype(jnp.int32), jnp.int32(NOT_SELECTED))
    ranksel_ref[0, 0] = jnp.transpose(ranksel)
    count_ref[0, 0] = jnp.sum(sel_f, axis=1, keepdims=True)


def _window_attn(qk_s, v_s, rel, scale):
    wsz = WSZ
    knrm = jnp.sqrt(jnp.sum(qk_s * qk_s, axis=1, keepdims=True))
    kk = qk_s / jnp.maximum(knrm, 1e-12)
    kr = jnp.concatenate([kk, rel], axis=0)
    de = lax.dot_general(qk_s, kr, (((1,), (1,)), ((), ()))) * scale
    dots = lax.slice(de, (0, 0), (wsz, wsz))
    emb = lax.slice(de, (0, wsz), (wsz, 2 * wsz))

    rows = lax.broadcasted_iota(jnp.int32, (wsz, wsz), 0)
    cols = lax.broadcasted_iota(jnp.int32, (wsz, wsz), 1)
    x = emb
    for kbit in range(8):
        rolled = _roll_left(x, 1 << kbit)
        condb = ((((wsz - 1) - rows) >> kbit) & 1) == 1
        x = jnp.where(condb, rolled, x)
    dots = dots + jnp.where(cols <= rows, x, 0.0)
    dots = jnp.where(rows == cols, TOKEN_SELF_ATTN_VALUE, dots)

    m = jnp.max(dots, axis=1, keepdims=True)
    p = jnp.exp(dots - m)
    sm = p / jnp.sum(p, axis=1, keepdims=True)
    return jnp.dot(sm, v_s)


def _attn_kernel(rankcol_ref, rankrow_ref, qv_ref, rel_t_ref, count_ref,
                 out_ref, acc_ref):
    t, d2 = qv_ref.shape[2], qv_ref.shape[3]
    d = d2 // 2
    wsz = WSZ
    nc = t // wsz
    scale = d ** -0.5
    cc = pl.program_id(2)

    qv = qv_ref[0, 0]
    rel = rel_t_ref[0]
    rank_col = rankcol_ref[0, 0, 0]
    rank_row = rankrow_ref[0, 0, 0]

    w_iota = lax.broadcasted_iota(jnp.int32, (t, wsz), 1)
    w_iota_r = lax.broadcasted_iota(jnp.int32, (wsz, t), 0)

    p_ts = [jnp.where(rank_row[g] == w_iota_r, 1.0, 0.0) for g in range(CPP)]
    p_t2 = jnp.concatenate(p_ts, axis=0)
    qv_s2 = jnp.dot(p_t2, qv)

    bos = []
    for g in range(CPP):
        qk_s = lax.slice(qv_s2, (g * wsz, 0), ((g + 1) * wsz, d))
        v_s = lax.slice(qv_s2, (g * wsz, d), ((g + 1) * wsz, d2))
        bos.append(_window_attn(qk_s, v_s, rel, scale))
    bo2 = jnp.concatenate(bos, axis=0)

    p_ms = [jnp.where(rank_col[g] == w_iota, 1.0, 0.0) for g in range(CPP)]
    p_m2 = jnp.concatenate(p_ms, axis=1)
    contrib = jnp.dot(p_m2, bo2)

    @pl.when(cc == 0)
    def _():
        acc_ref[...] = contrib

    @pl.when(cc > 0)
    def _():
        acc_ref[...] = acc_ref[...] + contrib

    @pl.when(cc == nc // CPP - 1)
    def _():
        out_ref[0, 0] = acc_ref[...] / (count_ref[0, 0] + 1e-05)


def _run(qk, v, means_t, rel_t, interpret=False, a_only=False):
    b, h, t, d = qk.shape
    nc = means_t.shape[2]

    ranksel_t, count, qv = pl.pallas_call(
        _route_kernel,
        out_shape=(
            jax.ShapeDtypeStruct((b, h, nc, t), jnp.int32),
            jax.ShapeDtypeStruct((b, h, t, 1), jnp.float32),
            jax.ShapeDtypeStruct((b, h, t, 2 * d), jnp.float32),
        ),
        grid=(b, h),
        in_specs=[
            pl.BlockSpec((1, 1, t, d), lambda i, j: (i, j, 0, 0)),
            pl.BlockSpec((1, 1, t, d), lambda i, j: (i, j, 0, 0)),
            pl.BlockSpec((1, d, nc), lambda i, j: (j, 0, 0)),
        ],
        out_specs=(
            pl.BlockSpec((1, 1, nc, t), lambda i, j: (i, j, 0, 0)),
            pl.BlockSpec((1, 1, t, 1), lambda i, j: (i, j, 0, 0)),
            pl.BlockSpec((1, 1, t, 2 * d), lambda i, j: (i, j, 0, 0)),
        ),
        compiler_params=pltpu.CompilerParams(
            dimension_semantics=("parallel", "parallel")),
        interpret=interpret,
    )(qk, v, means_t)

    if a_only:
        return qv[..., :d] * count
    rank_col = ranksel_t.reshape(b, h, nc // CPP, CPP, t, 1)
    rank_row = ranksel_t.reshape(b, h, nc // CPP, CPP, 1, t)

    out = pl.pallas_call(
        _attn_kernel,
        out_shape=jax.ShapeDtypeStruct((b, h, t, d), jnp.float32),
        grid=(b, h, nc // CPP),
        in_specs=[
            pl.BlockSpec((1, 1, 1, CPP, t, 1),
                         lambda i, j, c: (i, j, c, 0, 0, 0)),
            pl.BlockSpec((1, 1, 1, CPP, 1, t),
                         lambda i, j, c: (i, j, c, 0, 0, 0)),
            pl.BlockSpec((1, 1, t, 2 * d), lambda i, j, c: (i, j, 0, 0)),
            pl.BlockSpec((1, WSZ, d), lambda i, j, c: (j, 0, 0)),
            pl.BlockSpec((1, 1, t, 1), lambda i, j, c: (i, j, 0, 0)),
        ],
        out_specs=pl.BlockSpec((1, 1, t, d), lambda i, j, c: (i, j, 0, 0)),
        scratch_shapes=[pltpu.VMEM((t, d), jnp.float32)],
        compiler_params=pltpu.CompilerParams(
            dimension_semantics=("parallel", "parallel", "arbitrary")),
        interpret=interpret,
    )(rank_col, rank_row, qv, rel_t, count)
    return out


@jax.jit
def kernel(qk, v, means, rel_pos_weights):
    means_t = jnp.swapaxes(means, 1, 2)
    rel_t = jnp.swapaxes(rel_pos_weights, 0, 1)
    return _run(qk, v, means_t, rel_t, a_only=True)

# --- scband reference (transcript-rebuilt; emitter-appended) ---
"""Pipeline reference for scband-kmeans-attention-44710609551422 (READ-ONLY COPY).

The authoritative reference and input builder live on the scoring server;
editing this copy changes nothing except your own understanding.
"""

import jax, jax.numpy as jnp
import numpy as np

B, H, T, D = 2, 16, 4096, 64
WSZ = 256
NC = T // WSZ
TOKEN_SELF_ATTN_VALUE = -50000.0


def l2norm(x, axis=-1, eps=1e-12):
    n = jnp.sqrt(jnp.sum(x * x, axis=axis, keepdims=True))
    return x / jnp.maximum(n, eps)


def shift(x):
    # x: [..., i, j] -> relative-position shift
    lead = x.shape[:-2]
    i, j = x.shape[-2], x.shape[-1]
    zero_pad = jnp.zeros((*lead, i, i), dtype=x.dtype)
    x = jnp.concatenate([x, zero_pad], axis=-1)
    l = i + j - 1
    x = x.reshape(*lead, -1)
    pad = (-x.shape[-1]) % l
    zero_pad2 = jnp.zeros((*lead, pad), dtype=x.dtype)
    shifted = jnp.concatenate([x, zero_pad2], axis=-1).reshape(*lead, -1, l)
    return shifted[..., :i, i - 1:]


def setup_inputs(seed: int = 0) -> dict:
    key = jax.random.key(seed)
    k1, k2, k3, k4 = jax.random.split(key, 4)
    qk = jax.random.normal(k1, (B, H, T, D), dtype=jnp.float32)
    v = jax.random.normal(k2, (B, H, T, D), dtype=jnp.float32)
    # kmeans means buffer (h, num_clusters, d), L2-normalized like buckets_to_means output
    means = l2norm(jax.random.normal(k3, (H, NC, D), dtype=jnp.float32))
    # RelativePositionalEmbedding weights: (window_size, heads, head_dim)
    rel_pos_weights = jax.random.normal(k4, (WSZ, H, D), dtype=jnp.float32) * 0.02
    return {"qk": qk, "v": v, "means": means, "rel_pos_weights": rel_pos_weights}


def reference(qk, v, means, rel_pos_weights):
    # Eval-mode forward (initted buffer True, training=False -> kmeans max_iters=0,
    # means used as-is). dropout=0.
    b, h, t, d = qk.shape
    wsz = WSZ
    nc = t // wsz

    # routing (computed under no_grad in torch)
    kn = l2norm(qk)
    dists = jnp.einsum('bhld,hcd->bhlc', kn, means)  # similarity
    # distribution(): topk over token dim per cluster, then sort indices
    d2 = jnp.swapaxes(dists, -1, -2)  # [b,h,c,t]
    _, idx = jax.lax.top_k(d2, wsz)   # [b,h,c,wsz]
    idx = jnp.sort(idx, axis=-1)
    indices = idx.reshape(b, h, nc * wsz)

    # batched_index_select
    qk_s = jnp.take_along_axis(qk, indices[..., None], axis=2).reshape(b, h, nc, wsz, d)
    v_s = jnp.take_along_axis(v, indices[..., None], axis=2).reshape(b, h, nc, wsz, d)

    q = qk_s
    kk = l2norm(qk_s).astype(qk_s.dtype)
    dots = jnp.einsum('bhnid,bhnjd->bhnij', q, kk) * (d ** -0.5)

    # relative positional embedding
    emb = jnp.einsum('bhnid,jhd->bhnij', q, rel_pos_weights.astype(q.dtype)) * (d ** -0.5)
    dots = dots + shift(emb)

    mask_value = -jnp.finfo(dots.dtype).max
    # causal=False: skip triu mask
    eye = jnp.eye(wsz, dtype=bool)
    dots = jnp.where(eye, TOKEN_SELF_ATTN_VALUE, dots)

    attn = jax.nn.softmax(dots, axis=-1)
    bo = jnp.einsum('bhcij,bhcjd->bhcid', attn, v_s)
    so = bo.reshape(b, h, nc * wsz, d).astype(jnp.float32)

    # scatter_mean back to original token positions
    bi = jnp.arange(b)[:, None, None]
    hi = jnp.arange(h)[None, :, None]
    numer = jnp.zeros((b, h, t, d), so.dtype).at[bi, hi, indices].add(so)
    denom = jnp.zeros((b, h, t, d), so.dtype).at[bi, hi, indices].add(jnp.ones_like(so))
    return numer / (denom + 1e-05)

if __name__ == "__main__":
    import jax
    _d = setup_inputs()
    print(jax.jit(kernel)(*tuple(_d.values())))

</pallas_src>

<mosaic_0001>
module attributes {stable_mosaic.version = 14 : i64} {
  func.func @_route_kernel(%arg0: i32, %arg1: i32, %arg2: memref<1x1x4096x64xf32, #tpu.memory_space<vmem>>, %arg3: memref<1x1x4096x64xf32, #tpu.memory_space<vmem>>, %arg4: memref<1x64x16xf32, #tpu.memory_space<vmem>>, %arg5: memref<1x1x16x4096xi32, #tpu.memory_space<vmem>>, %arg6: memref<1x1x4096x1xf32, #tpu.memory_space<vmem>>, %arg7: memref<1x1x4096x128xf32, #tpu.memory_space<vmem>>) attributes {dimension_semantics = [#tpu.dimension_semantics<parallel>, #tpu.dimension_semantics<parallel>], iteration_bounds = array<i64: 2, 16>, scalar_prefetch = 0 : i64, scratch_operands = 0 : i64, tpu.core_type = #tpu.core_type<tc>, window_params = [{transform_indices = @transform_0, window_bounds = array<i64: 1, 1, 4096, 64>}, {transform_indices = @transform_1, window_bounds = array<i64: 1, 1, 4096, 64>}, {transform_indices = @transform_2, window_bounds = array<i64: 1, 64, 16>}, {transform_indices = @transform_3, window_bounds = array<i64: 1, 1, 16, 4096>}, {transform_indices = @transform_4, window_bounds = array<i64: 1, 1, 4096, 1>}, {transform_indices = @transform_5, window_bounds = array<i64: 1, 1, 4096, 128>}]} {
    %get3A = arith.constant 0 : index
    %get3A_0 = arith.constant 0 : index
    %get3A_1 = arith.constant 0 : index
    %get3A_2 = arith.constant 0 : index
    %get3A_3 = vector.load %arg2[%get3A, %get3A_0, %get3A_1, %get3A_2] : memref<1x1x4096x64xf32, #tpu.memory_space<vmem>>, vector<1x1x4096x64xf32>
    %get3A_4 = vector.shape_cast %get3A_3 : vector<1x1x4096x64xf32> to vector<4096x64xf32>
    %get3A_5 = arith.constant 0 : index
    %get3A_6 = arith.constant 0 : index
    %get3A_7 = arith.constant 0 : index
    %get3A_8 = vector.load %arg4[%get3A_5, %get3A_6, %get3A_7] : memref<1x64x16xf32, #tpu.memory_space<vmem>>, vector<1x64x16xf32>
    %get3A_9 = vector.shape_cast %get3A_8 : vector<1x64x16xf32> to vector<64x16xf32>
    %get3A_10 = arith.constant 0 : index
    %get3A_11 = arith.constant 0 : index
    %get3A_12 = arith.constant 0 : index
    %get3A_13 = arith.constant 0 : index
    %get3A_14 = vector.load %arg3[%get3A_10, %get3A_11, %get3A_12, %get3A_13] : memref<1x1x4096x64xf32, #tpu.memory_space<vmem>>, vector<1x1x4096x64xf32>
    %get3A_15 = vector.shape_cast %get3A_14 : vector<1x1x4096x64xf32> to vector<4096x64xf32>
    %concatenate3A = tpu.concatenate %get3A_4, %get3A_15 in 1 : vector<4096x64xf32>, vector<4096x64xf32> -> vector<4096x128xf32>
    %swap3A = arith.constant 0 : index
    %swap3A_16 = arith.constant 0 : index
    %swap3A_17 = arith.constant 0 : index
    %swap3A_18 = arith.constant 0 : index
    %swap3A_19 = vector.load %arg7[%swap3A, %swap3A_16, %swap3A_17, %swap3A_18] : memref<1x1x4096x128xf32, #tpu.memory_space<vmem>>, vector<1x1x4096x128xf32>
    %swap3A_20 = vector.shape_cast %swap3A_19 : vector<1x1x4096x128xf32> to vector<4096x128xf32>
    %swap3A_21 = vector.shape_cast %concatenate3A : vector<4096x128xf32> to vector<1x1x4096x128xf32>
    tpu.vector_store %arg7[%swap3A, %swap3A_16, %swap3A_17, %swap3A_18], %swap3A_21 {strides = array<i32>} : memref<1x1x4096x128xf32, #tpu.memory_space<vmem>>, vector<1x1x4096x128xf32>,
    %mul3A = arith.mulf %get3A_4, %get3A_4 : vector<4096x64xf32>
    %reduce_sum3A = arith.constant dense<0.000000e+00> : vector<4096xf32>
    %reduce_sum3A_22 = vector.multi_reduction <add>, %mul3A, %reduce_sum3A [1] : vector<4096x64xf32> to vector<4096xf32>
    %broadcast_in_dim3A = vector.shape_cast %reduce_sum3A_22 : vector<4096xf32> to vector<4096x1xf32>
    %sqrt3A = math.sqrt %broadcast_in_dim3A : vector<4096x1xf32>
    %max3A = arith.constant 9.99999996E-13 : f32
    %max3A_23 = vector.broadcast %max3A : f32 to vector<4096x1xf32>
    %max3A_24 = arith.maximumf %sqrt3A, %max3A_23 : vector<4096x1xf32>
    %div3A = vector.broadcast %max3A_24 : vector<4096x1xf32> to vector<4096x64xf32>
    %div3A_25 = arith.divf %get3A_4, %div3A : vector<4096x64xf32>
    %dot_general3A = arith.constant dense<0.000000e+00> : vector<4096x16xf32>
    %dot_general3A_26 = tpu.matmul %div3A_25, %get3A_9, %dot_general3A {dimension_numbers = #tpu.dot_dimension_numbers<[1], [0], [0], [1], [0, 0, 1, 1], [], []>, transpose_lhs_hint = false} : vector<4096x64xf32>, vector<64x16xf32>, vector<4096x16xf32> -> vector<4096x16xf32>
    %bitcast_convert_type3A = tpu.bitcast %dot_general3A_26 : vector<4096x16xf32> -> vector<4096x16xi32>
    %shift_right_arithmetic3A = arith.constant 31 : i32
    %shift_right_arithmetic3A_27 = vector.broadcast %shift_right_arithmetic3A : i32 to vector<4096x16xi32>
    %shift_right_arithmetic3A_28 = arith.shrsi %bitcast_convert_type3A, %shift_right_arithmetic3A_27 : vector<4096x16xi32>
    %and3A = arith.constant 2147483647 : i32
    %and3A_29 = vector.broadcast %and3A : i32 to vector<4096x16xi32>
    %and3A_30 = arith.andi %shift_right_arithmetic3A_28, %and3A_29 : vector<4096x16xi32>
    %xor3A = arith.xori %bitcast_convert_type3A, %and3A_30 : vector<4096x16xi32>
    %broadcast_in_dim3A_31 = arith.constant 0 : i32
    %broadcast_in_dim3A_32 = vector.broadcast %broadcast_in_dim3A_31 : i32 to vector<1x16xi32>
    %add3A = arith.constant -2147483648 : i32
    %add3A_33 = vector.broadcast %add3A : i32 to vector<1x16xi32>
    %add3A_34 = arith.addi %broadcast_in_dim3A_32, %add3A_33 : vector<1x16xi32>
    %xor3A_35 = arith.constant -2147483648 : i32
    %xor3A_36 = vector.broadcast %xor3A_35 : i32 to vector<1x16xi32>
    %xor3A_37 = arith.xori %add3A_34, %xor3A_36 : vector<1x16xi32>
    %ge3A = vector.broadcast %xor3A_37 : vector<1x16xi32> to vector<4096x16xi32>
    %ge3A_38 = arith.cmpi sge, %xor3A, %ge3A : vector<4096x16xi32>
    %convert_element_type3A = arith.extui %ge3A_38 : vector<4096x16xi1> to vector<4096x16xi32>
    %convert_element_type3A_39 = arith.sitofp %convert_element_type3A : vector<4096x16xi32> to vector<4096x16xf32>
    %reduce_sum3A_40 = arith.constant dense<0.000000e+00> : vector<16xf32>
    %reduce_sum3A_41 = vector.multi_reduction <add>, %convert_element_type3A_39, %reduce_sum3A_40 [0] : vector<4096x16xf32> to vector<16xf32>
    %broadcast_in_dim3A_42 = vector.shape_cast %reduce_sum3A_41 : vector<16xf32> to vector<1x16xf32>
    %ge3A_43 = arith.constant 2.560000e+02 : f32
    %ge3A_44 = vector.broadcast %ge3A_43 : f32 to vector<1x16xf32>
    %ge3A_45 = arith.cmpf oge, %broadcast_in_dim3A_42, %ge3A_44 : vector<1x16xf32>
    %select_n3A = arith.select %ge3A_45, %add3A_34, %broadcast_in_dim3A_32 : vector<1x16xi1>, vector<1x16xi32>
    %add3A_46 = arith.constant 1073741824 : i32
    %add3A_47 = vector.broadcast %add3A_46 : i32 to vector<1x16xi32>
    %add3A_48 = arith.addi %select_n3A, %add3A_47 : vector<1x16xi32>
    %xor3A_49 = arith.constant -2147483648 : i32
    %xor3A_50 = vector.broadcast %xor3A_49 : i32 to vector<1x16xi32>
    %xor3A_51 = arith.xori %add3A_48, %xor3A_50 : vector<1x16xi32>
    %ge3A_52 = vector.broadcast %xor3A_51 : vector<1x16xi32> to vector<4096x16xi32>
    %ge3A_53 = arith.cmpi sge, %xor3A, %ge3A_52 : vector<4096x16xi32>
    %convert_element_type3A_54 = arith.extui %ge3A_53 : vector<4096x16xi1> to vector<4096x16xi32>
    %convert_element_type3A_55 = arith.sitofp %convert_element_type3A_54 : vector<4096x16xi32> to vector<4096x16xf32>
    %reduce_sum3A_56 = arith.constant dense<0.000000e+00> : vector<16xf32>
    %reduce_sum3A_57 = vector.multi_reduction <add>, %convert_element_type3A_55, %reduce_sum3A_56 [0] : vector<4096x16xf32> to vector<16xf32>
    %broadcast_in_dim3A_58 = vector.shape_cast %reduce_sum3A_57 : vector<16xf32> to vector<1x16xf32>
    %ge3A_59 = arith.constant 2.560000e+02 : f32
    %ge3A_60 = vector.broadcast %ge3A_59 : f32 to vector<1x16xf32>
    %ge3A_61 = arith.cmpf oge, %broadcast_in_dim3A_58, %ge3A_60 : vector<1x16xf32>
    %select_n3A_62 = arith.select %ge3A_61, %add3A_48, %select_n3A : vector<1x16xi1>, vector<1x16xi32>
    %add3A_63 = arith.constant 536870912 : i32
    %add3A_64 = vector.broadcast %add3A_63 : i32 to vector<1x16xi32>
    %add3A_65 = arith.addi %select_n3A_62, %add3A_64 : vector<1x16xi32>
    %xor3A_66 = arith.constant -2147483648 : i32
    %xor3A_67 = vector.broadcast %xor3A_66 : i32 to vector<1x16xi32>
    %xor3A_68 = arith.xori %add3A_65, %xor3A_67 : vector<1x16xi32>
    %ge3A_69 = vector.broadcast %xor3A_68 : vector<1x16xi32> to vector<4096x16xi32>
    %ge3A_70 = arith.cmpi sge, %xor3A, %ge3A_69 : vector<4096x16xi32>
    %convert_element_type3A_71 = arith.extui %ge3A_70 : vector<4096x16xi1> to vector<4096x16xi32>
    %convert_element_type3A_72 = arith.sitofp %convert_element_type3A_71 : vector<4096x16xi32> to vector<4096x16xf32>
    %reduce_sum3A_73 = arith.constant dense<0.000000e+00> : vector<16xf32>
    %reduce_sum3A_74 = vector.multi_reduction <add>, %convert_element_type3A_72, %reduce_sum3A_73 [0] : vector<4096x16xf32> to vector<16xf32>
    %broadcast_in_dim3A_75 = vector.shape_cast %reduce_sum3A_74 : vector<16xf32> to vector<1x16xf32>
    %ge3A_76 = arith.constant 2.560000e+02 : f32
    %ge3A_77 = vector.broadcast %ge3A_76 : f32 to vector<1x16xf32>
    %ge3A_78 = arith.cmpf oge, %broadcast_in_dim3A_75, %ge3A_77 : vector<1x16xf32>
    %select_n3A_79 = arith.select %ge3A_78, %add3A_65, %select_n3A_62 : vector<1x16xi1>, vector<1x16xi32>
    %add3A_80 = arith.constant 268435456 : i32
    %add3A_81 = vector.broadcast %add3A_80 : i32 to vector<1x16xi32>
    %add3A_82 = arith.addi %select_n3A_79, %add3A_81 : vector<1x16xi32>
    %xor3A_83 = arith.constant -2147483648 : i32
    %xor3A_84 = vector.broadcast %xor3A_83 : i32 to vector<1x16xi32>
    %xor3A_85 = arith.xori %add3A_82, %xor3A_84 : vector<1x16xi32>
    %ge3A_86 = vector.broadcast %xor3A_85 : vector<1x16xi32> to vector<4096x16xi32>
    %ge3A_87 = arith.cmpi sge, %xor3A, %ge3A_86 : vector<4096x16xi32>
    %convert_element_type3A_88 = arith.extui %ge3A_87 : vector<4096x16xi1> to vector<4096x16xi32>
    %convert_element_type3A_89 = arith.sitofp %convert_element_type3A_88 : vector<4096x16xi32> to vector<4096x16xf32>
    %reduce_sum3A_90 = arith.constant dense<0.000000e+00> : vector<16xf32>
    %reduce_sum3A_91 = vector.multi_reduction <add>, %convert_element_type3A_89, %reduce_sum3A_90 [0] : vector<4096x16xf32> to vector<16xf32>
    %broadcast_in_dim3A_92 = vector.shape_cast %reduce_sum3A_91 : vector<16xf32> to vector<1x16xf32>
    %ge3A_93 = arith.constant 2.560000e+02 : f32
    %ge3A_94 = vector.broadcast %ge3A_93 : f32 to vector<1x16xf32>
    %ge3A_95 = arith.cmpf oge, %broadcast_in_dim3A_92, %ge3A_94 : vector<1x16xf32>
    %select_n3A_96 = arith.select %ge3A_95, %add3A_82, %select_n3A_79 : vector<1x16xi1>, vector<1x16xi32>
    %add3A_97 = arith.constant 134217728 : i32
    %add3A_98 = vector.broadcast %add3A_97 : i32 to vector<1x16xi32>
    %add3A_99 = arith.addi %select_n3A_96, %add3A_98 : vector<1x16xi32>
    %xor3A_100 = arith.constant -2147483648 : i32
    %xor3A_101 = vector.broadcast %xor3A_100 : i32 to vector<1x16xi32>
    %xor3A_102 = arith.xori %add3A_99, %xor3A_101 : vector<1x16xi32>
    %ge3A_103 = vector.broadcast %xor3A_102 : vector<1x16xi32> to vector<4096x16xi32>
    %ge3A_104 = arith.cmpi sge, %xor3A, %ge3A_103 : vector<4096x16xi32>
    %convert_element_type3A_105 = arith.extui %ge3A_104 : vector<4096x16xi1> to vector<4096x16xi32>
    %convert_element_type3A_106 = arith.sitofp %convert_element_type3A_105 : vector<4096x16xi32> to vector<4096x16xf32>
    %reduce_sum3A_107 = arith.constant dense<0.000000e+00> : vector<16xf32>
    %reduce_sum3A_108 = vector.multi_reduction <add>, %convert_element_type3A_106, %reduce_sum3A_107 [0] : vector<4096x16xf32> to vector<16xf32>
    %broadcast_in_dim3A_109 = vector.shape_cast %reduce_sum3A_108 : vector<16xf32> to vector<1x16xf32>
    %ge3A_110 = arith.constant 2.560000e+02 : f32
    %ge3A_111 = vector.broadcast %ge3A_110 : f32 to vector<1x16xf32>
    %ge3A_112 = arith.cmpf oge, %broadcast_in_dim3A_109, %ge3A_111 : vector<1x16xf32>
    %select_n3A_113 = arith.select %ge3A_112, %add3A_99, %select_n3A_96 : vector<1x16xi1>, vector<1x16xi32>
    %add3A_114 = arith.constant 67108864 : i32
    %add3A_115 = vector.broadcast %add3A_114 : i32 to vector<1x16xi32>
    %add3A_116 = arith.addi %select_n3A_113, %add3A_115 : vector<1x16xi32>
    %xor3A_117 = arith.constant -2147483648 : i32
    %xor3A_118 = vector.broadcast %xor3A_117 : i32 to vector<1x16xi32>
    %xor3A_119 = arith.xori %add3A_116, %xor3A_118 : vector<1x16xi32>
    %ge3A_120 = vector.broadcast %xor3A_119 : vector<1x16xi32> to vector<4096x16xi32>
    %ge3A_121 = arith.cmpi sge, %xor3A, %ge3A_120 : vector<4096x16xi32>
    %convert_element_type3A_122 = arith.extui %ge3A_121 : vector<4096x16xi1> to vector<4096x16xi32>
    %convert_element_type3A_123 = arith.sitofp %convert_element_type3A_122 : vector<4096x16xi32> to vector<4096x16xf32>
    %reduce_sum3A_124 = arith.constant dense<0.000000e+00> : vector<16xf32>
    %reduce_sum3A_125 = vector.multi_reduction <add>, %convert_element_type3A_123, %reduce_sum3A_124 [0] : vector<4096x16xf32> to vector<16xf32>
    %broadcast_in_dim3A_126 = vector.shape_cast %reduce_sum3A_125 : vector<16xf32> to vector<1x16xf32>
    %ge3A_127 = arith.constant 2.560000e+02 : f32
    %ge3A_128 = vector.broadcast %ge3A_127 : f32 to vector<1x16xf32>
    %ge3A_129 = arith.cmpf oge, %broadcast_in_dim3A_126, %ge3A_128 : vector<1x16xf32>
    %select_n3A_130 = arith.select %ge3A_129, %add3A_116, %select_n3A_113 : vector<1x16xi1>, vector<1x16xi32>
    %add3A_131 = arith.constant 33554432 : i32
    %add3A_132 = vector.broadcast %add3A_131 : i32 to vector<1x16xi32>
    %add3A_133 = arith.addi %select_n3A_130, %add3A_132 : vector<1x16xi32>
    %xor3A_134 = arith.constant -2147483648 : i32
    %xor3A_135 = vector.broadcast %xor3A_134 : i32 to vector<1x16xi32>
    %xor3A_136 = arith.xori %add3A_133, %xor3A_135 : vector<1x16xi32>
    %ge3A_137 = vector.broadcast %xor3A_136 : vector<1x16xi32> to vector<4096x16xi32>
    %ge3A_138 = arith.cmpi sge, %xor3A, %ge3A_137 : vector<4096x16xi32>
    %convert_element_type3A_139 = arith.extui %ge3A_138 : vector<4096x16xi1> to vector<4096x16xi32>
    %convert_element_type3A_140 = arith.sitofp %convert_element_type3A_139 : vector<4096x16xi32> to vector<4096x16xf32>
    %reduce_sum3A_141 = arith.constant dense<0.000000e+00> : vector<16xf32>
    %reduce_sum3A_142 = vector.multi_reduction <add>, %convert_element_type3A_140, %reduce_sum3A_141 [0] : vector<4096x16xf32> to vector<16xf32>
    %broadcast_in_dim3A_143 = vector.shape_cast %reduce_sum3A_142 : vector<16xf32> to vector<1x16xf32>
    %ge3A_144 = arith.constant 2.560000e+02 : f32
    %ge3A_145 = vector.broadcast %ge3A_144 : f32 to vector<1x16xf32>
    %ge3A_146 = arith.cmpf oge, %broadcast_in_dim3A_143, %ge3A_145 : vector<1x16xf32>
    %select_n3A_147 = arith.select %ge3A_146, %add3A_133, %select_n3A_130 : vector<1x16xi1>, vector<1x16xi32>
    %add3A_148 = arith.constant 16777216 : i32
    %add3A_149 = vector.broadcast %add3A_148 : i32 to vector<1x16xi32>
    %add3A_150 = arith.addi %select_n3A_147, %add3A_149 : vector<1x16xi32>
    %xor3A_151 = arith.constant -2147483648 : i32
    %xor3A_152 = vector.broadcast %xor3A_151 : i32 to vector<1x16xi32>
    %xor3A_153 = arith.xori %add3A_150, %xor3A_152 : vector<1x16xi32>
    %ge3A_154 = vector.broadcast %xor3A_153 : vector<1x16xi32> to vector<4096x16xi32>
    %ge3A_155 = arith.cmpi sge, %xor3A, %ge3A_154 : vector<4096x16xi32>
    %convert_element_type3A_156 = arith.extui %ge3A_155 : vector<4096x16xi1> to vector<4096x16xi32>
    %convert_element_type3A_157 = arith.sitofp %convert_element_type3A_156 : vector<4096x16xi32> to vector<4096x16xf32>
    %reduce_sum3A_158 = arith.constant dense<0.000000e+00> : vector<16xf32>
    %reduce_sum3A_159 = vector.multi_reduction <add>, %convert_element_type3A_157, %reduce_sum3A_158 [0] : vector<4096x16xf32> to vector<16xf32>
    %broadcast_in_dim3A_160 = vector.shape_cast %reduce_sum3A_159 : vector<16xf32> to vector<1x16xf32>
    %ge3A_161 = arith.constant 2.560000e+02 : f32
    %ge3A_162 = vector.broadcast %ge3A_161 : f32 to vector<1x16xf32>
    %ge3A_163 = arith.cmpf oge, %broadcast_in_dim3A_160, %ge3A_162 : vector<1x16xf32>
    %select_n3A_164 = arith.select %ge3A_163, %add3A_150, %select_n3A_147 : vector<1x16xi1>, vector<1x16xi32>
    %add3A_165 = arith.constant 8388608 : i32
    %add3A_166 = vector.broadcast %add3A_165 : i32 to vector<1x16xi32>
    %add3A_167 = arith.addi %select_n3A_164, %add3A_166 : vector<1x16xi32>
    %xor3A_168 = arith.constant -2147483648 : i32
    %xor3A_169 = vector.broadcast %xor3A_168 : i32 to vector<1x16xi32>
    %xor3A_170 = arith.xori %add3A_167, %xor3A_169 : vector<1x16xi32>
    %ge3A_171 = vector.broadcast %xor3A_170 : vector<1x16xi32> to vector<4096x16xi32>
    %ge3A_172 = arith.cmpi sge, %xor3A, %ge3A_171 : vector<4096x16xi32>
    %convert_element_type3A_173 = arith.extui %ge3A_172 : vector<4096x16xi1> to vector<4096x16xi32>
    %convert_element_type3A_174 = arith.sitofp %convert_element_type3A_173 : vector<4096x16xi32> to vector<4096x16xf32>
    %reduce_sum3A_175 = arith.constant dense<0.000000e+00> : vector<16xf32>
    %reduce_sum3A_176 = vector.multi_reduction <add>, %convert_element_type3A_174, %reduce_sum3A_175 [0] : vector<4096x16xf32> to vector<16xf32>
    %broadcast_in_dim3A_177 = vector.shape_cast %reduce_sum3A_176 : vector<16xf32> to vector<1x16xf32>
    %ge3A_178 = arith.constant 2.560000e+02 : f32
    %ge3A_179 = vector.broadcast %ge3A_178 : f32 to vector<1x16xf32>
    %ge3A_180 = arith.cmpf oge, %broadcast_in_dim3A_177, %ge3A_179 : vector<1x16xf32>
    %select_n3A_181 = arith.select %ge3A_180, %add3A_167, %select_n3A_164 : vector<1x16xi1>, vector<1x16xi32>
    %add3A_182 = arith.constant 4194304 : i32
    %add3A_183 = vector.broadcast %add3A_182 : i32 to vector<1x16xi32>
    %add3A_184 = arith.addi %select_n3A_181, %add3A_183 : vector<1x16xi32>
    %xor3A_185 = arith.constant -2147483648 : i32
    %xor3A_186 = vector.broadcast %xor3A_185 : i32 to vector<1x16xi32>
    %xor3A_187 = arith.xori %add3A_184, %xor3A_186 : vector<1x16xi32>
    %ge3A_188 = vector.broadcast %xor3A_187 : vector<1x16xi32> to vector<4096x16xi32>
    %ge3A_189 = arith.cmpi sge, %xor3A, %ge3A_188 : vector<4096x16xi32>
    %convert_element_type3A_190 = arith.extui %ge3A_189 : vector<4096x16xi1> to vector<4096x16xi32>
    %convert_element_type3A_191 = arith.sitofp %convert_element_type3A_190 : vector<4096x16xi32> to vector<4096x16xf32>
    %reduce_sum3A_192 = arith.constant dense<0.000000e+00> : vector<16xf32>
    %reduce_sum3A_193 = vector.multi_reduction <add>, %convert_element_type3A_191, %reduce_sum3A_192 [0] : vector<4096x16xf32> to vector<16xf32>
    %broadcast_in_dim3A_194 = vector.shape_cast %reduce_sum3A_193 : vector<16xf32> to vector<1x16xf32>
    %ge3A_195 = arith.constant 2.560000e+02 : f32
    %ge3A_196 = vector.broadcast %ge3A_195 : f32 to vector<1x16xf32>
    %ge3A_197 = arith.cmpf oge, %broadcast_in_dim3A_194, %ge3A_196 : vector<1x16xf32>
    %select_n3A_198 = arith.select %ge3A_197, %add3A_184, %select_n3A_181 : vector<1x16xi1>, vector<1x16xi32>
    %add3A_199 = arith.constant 2097152 : i32
    %add3A_200 = vector.broadcast %add3A_199 : i32 to vector<1x16xi32>
    %add3A_201 = arith.addi %select_n3A_198, %add3A_200 : vector<1x16xi32>
    %xor3A_202 = arith.constant -2147483648 : i32
    %xor3A_203 = vector.broadcast %xor3A_202 : i32 to vector<1x16xi32>
    %xor3A_204 = arith.xori %add3A_201, %xor3A_203 : vector<1x16xi32>
    %ge3A_205 = vector.broadcast %xor3A_204 : vector<1x16xi32> to vector<4096x16xi32>
    %ge3A_206 = arith.cmpi sge, %xor3A, %ge3A_205 : vector<4096x16xi32>
    %convert_element_type3A_207 = arith.extui %ge3A_206 : vector<4096x16xi1> to vector<4096x16xi32>
    %convert_element_type3A_208 = arith.sitofp %convert_element_type3A_207 : vector<4096x16xi32> to vector<4096x16xf32>
    %reduce_sum3A_209 = arith.constant dense<0.000000e+00> : vector<16xf32>
    %reduce_sum3A_210 = vector.multi_reduction <add>, %convert_element_type3A_208, %reduce_sum3A_209 [0] : vector<4096x16xf32> to vector<16xf32>
    %broadcast_in_dim3A_211 = vector.shape_cast %reduce_sum3A_210 : vector<16xf32> to vector<1x16xf32>
    %ge3A_212 = arith.constant 2.560000e+02 : f32
    %ge3A_213 = vector.broadcast %ge3A_212 : f32 to vector<1x16xf32>
    %ge3A_214 = arith.cmpf oge, %broadcast_in_dim3A_211, %ge3A_213 : vector<1x16xf32>
    %select_n3A_215 = arith.select %ge3A_214, %add3A_201, %select_n3A_198 : vector<1x16xi1>, vector<1x16xi32>
    %add3A_216 = arith.constant 1048576 : i32
    %add3A_217 = vector.broadcast %add3A_216 : i32 to vector<1x16xi32>
    %add3A_218 = arith.addi %select_n3A_215, %add3A_217 : vector<1x16xi32>
    %xor3A_219 = arith.constant -2147483648 : i32
    %xor3A_220 = vector.broadcast %xor3A_219 : i32 to vector<1x16xi32>
    %xor3A_221 = arith.xori %add3A_218, %xor3A_220 : vector<1x16xi32>
    %ge3A_222 = vector.broadcast %xor3A_221 : vector<1x16xi32> to vector<4096x16xi32>
    %ge3A_223 = arith.cmpi sge, %xor3A, %ge3A_222 : vector<4096x16xi32>
    %convert_element_type3A_224 = arith.extui %ge3A_223 : vector<4096x16xi1> to vector<4096x16xi32>
    %convert_element_type3A_225 = arith.sitofp %convert_element_type3A_224 : vector<4096x16xi32> to vector<4096x16xf32>
    %reduce_sum3A_226 = arith.constant dense<0.000000e+00> : vector<16xf32>
    %reduce_sum3A_227 = vector.multi_reduction <add>, %convert_element_type3A_225, %reduce_sum3A_226 [0] : vector<4096x16xf32> to vector<16xf32>
    %broadcast_in_dim3A_228 = vector.shape_cast %reduce_sum3A_227 : vector<16xf32> to vector<1x16xf32>
    %ge3A_229 = arith.constant 2.560000e+02 : f32
    %ge3A_230 = vector.broadcast %ge3A_229 : f32 to vector<1x16xf32>
    %ge3A_231 = arith.cmpf oge, %broadcast_in_dim3A_228, %ge3A_230 : vector<1x16xf32>
    %select_n3A_232 = arith.select %ge3A_231, %add3A_218, %select_n3A_215 : vector<1x16xi1>, vector<1x16xi32>
    %add3A_233 = arith.constant 524288 : i32
    %add3A_234 = vector.broadcast %add3A_233 : i32 to vector<1x16xi32>
    %add3A_235 = arith.addi %select_n3A_232, %add3A_234 : vector<1x16xi32>
    %xor3A_236 = arith.constant -2147483648 : i32
    %xor3A_237 = vector.broadcast %xor3A_236 : i32 to vector<1x16xi32>
    %xor3A_238 = arith.xori %add3A_235, %xor3A_237 : vector<1x16xi32>
    %ge3A_239 = vector.broadcast %xor3A_238 : vector<1x16xi32> to vector<4096x16xi32>
    %ge3A_240 = arith.cmpi sge, %xor3A, %ge3A_239 : vector<4096x16xi32>
    %convert_element_type3A_241 = arith.extui %ge3A_240 : vector<4096x16xi1> to vector<4096x16xi32>
    %convert_element_type3A_242 = arith.sitofp %convert_element_type3A_241 : vector<4096x16xi32> to vector<4096x16xf32>
    %reduce_sum3A_243 = arith.constant dense<0.000000e+00> : vector<16xf32>
    %reduce_sum3A_244 = vector.multi_reduction <add>, %convert_element_type3A_242, %reduce_sum3A_243 [0] : vector<4096x16xf32> to vector<16xf32>
    %broadcast_in_dim3A_245 = vector.shape_cast %reduce_sum3A_244 : vector<16xf32> to vector<1x16xf32>
    %ge3A_246 = arith.constant 2.560000e+02 : f32
    %ge3A_247 = vector.broadcast %ge3A_246 : f32 to vector<1x16xf32>
    %ge3A_248 = arith.cmpf oge, %broadcast_in_dim3A_245, %ge3A_247 : vector<1x16xf32>
    %select_n3A_249 = arith.select %ge3A_248, %add3A_235, %select_n3A_232 : vector<1x16xi1>, vector<1x16xi32>
    %add3A_250 = arith.constant 262144 : i32
    %add3A_251 = vector.broadcast %add3A_250 : i32 to vector<1x16xi32>
    %add3A_252 = arith.addi %select_n3A_249, %add3A_251 : vector<1x16xi32>
    %xor3A_253 = arith.constant -2147483648 : i32
    %xor3A_254 = vector.broadcast %xor3A_253 : i32 to vector<1x16xi32>
    %xor3A_255 = arith.xori %add3A_252, %xor3A_254 : vector<1x16xi32>
    %ge3A_256 = vector.broadcast %xor3A_255 : vector<1x16xi32> to vector<4096x16xi32>
    %ge3A_257 = arith.cmpi sge, %xor3A, %ge3A_256 : vector<4096x16xi32>
    %convert_element_type3A_258 = arith.extui %ge3A_257 : vector<4096x16xi1> to vector<4096x16xi32>
    %convert_element_type3A_259 = arith.sitofp %convert_element_type3A_258 : vector<4096x16xi32> to vector<4096x16xf32>
    %reduce_sum3A_260 = arith.constant dense<0.000000e+00> : vector<16xf32>
    %reduce_sum3A_261 = vector.multi_reduction <add>, %convert_element_type3A_259, %reduce_sum3A_260 [0] : vector<4096x16xf32> to vector<16xf32>
    %broadcast_in_dim3A_262 = vector.shape_cast %reduce_sum3A_261 : vector<16xf32> to vector<1x16xf32>
    %ge3A_263 = arith.constant 2.560000e+02 : f32
    %ge3A_264 = vector.broadcast %ge3A_263 : f32 to vector<1x16xf32>
    %ge3A_265 = arith.cmpf oge, %broadcast_in_dim3A_262, %ge3A_264 : vector<1x16xf32>
    %select_n3A_266 = arith.select %ge3A_265, %add3A_252, %select_n3A_249 : vector<1x16xi1>, vector<1x16xi32>
    %add3A_267 = arith.constant 131072 : i32
    %add3A_268 = vector.broadcast %add3A_267 : i32 to vector<1x16xi32>
    %add3A_269 = arith.addi %select_n3A_266, %add3A_268 : vector<1x16xi32>
    %xor3A_270 = arith.constant -2147483648 : i32
    %xor3A_271 = vector.broadcast %xor3A_270 : i32 to vector<1x16xi32>
    %xor3A_272 = arith.xori %add3A_269, %xor3A_271 : vector<1x16xi32>
    %ge3A_273 = vector.broadcast %xor3A_272 : vector<1x16xi32> to vector<4096x16xi32>
    %ge3A_274 = arith.cmpi sge, %xor3A, %ge3A_273 : vector<4096x16xi32>
    %convert_element_type3A_275 = arith.extui %ge3A_274 : vector<4096x16xi1> to vector<4096x16xi32>
    %convert_element_type3A_276 = arith.sitofp %convert_element_type3A_275 : vector<4096x16xi32> to vector<4096x16xf32>
    %reduce_sum3A_277 = arith.constant dense<0.000000e+00> : vector<16xf32>
    %reduce_sum3A_278 = vector.multi_reduction <add>, %convert_element_type3A_276, %reduce_sum3A_277 [0] : vector<4096x16xf32> to vector<16xf32>
    %broadcast_in_dim3A_279 = vector.shape_cast %reduce_sum3A_278 : vector<16xf32> to vector<1x16xf32>
    %ge3A_280 = arith.constant 2.560000e+02 : f32
    %ge3A_281 = vector.broadcast %ge3A_280 : f32 to vector<1x16xf32>
    %ge3A_282 = arith.cmpf oge, %broadcast_in_dim3A_279, %ge3A_281 : vector<1x16xf32>
    %select_n3A_283 = arith.select %ge3A_282, %add3A_269, %select_n3A_266 : vector<1x16xi1>, vector<1x16xi32>
    %add3A_284 = arith.constant 65536 : i32
    %add3A_285 = vector.broadcast %add3A_284 : i32 to vector<1x16xi32>
    %add3A_286 = arith.addi %select_n3A_283, %add3A_285 : vector<1x16xi32>
    %xor3A_287 = arith.constant -2147483648 : i32
    %xor3A_288 = vector.broadcast %xor3A_287 : i32 to vector<1x16xi32>
    %xor3A_289 = arith.xori %add3A_286, %xor3A_288 : vector<1x16xi32>
    %ge3A_290 = vector.broadcast %xor3A_289 : vector<1x16xi32> to vector<4096x16xi32>
    %ge3A_291 = arith.cmpi sge, %xor3A, %ge3A_290 : vector<4096x16xi32>
    %convert_element_type3A_292 = arith.extui %ge3A_291 : vector<4096x16xi1> to vector<4096x16xi32>
    %convert_element_type3A_293 = arith.sitofp %convert_element_type3A_292 : vector<4096x16xi32> to vector<4096x16xf32>
    %reduce_sum3A_294 = arith.constant dense<0.000000e+00> : vector<16xf32>
    %reduce_sum3A_295 = vector.multi_reduction <add>, %convert_element_type3A_293, %reduce_sum3A_294 [0] : vector<4096x16xf32> to vector<16xf32>
    %broadcast_in_dim3A_296 = vector.shape_cast %reduce_sum3A_295 : vector<16xf32> to vector<1x16xf32>
    %ge3A_297 = arith.constant 2.560000e+02 : f32
    %ge3A_298 = vector.broadcast %ge3A_297 : f32 to vector<1x16xf32>
    %ge3A_299 = arith.cmpf oge, %broadcast_in_dim3A_296, %ge3A_298 : vector<1x16xf32>
    %select_n3A_300 = arith.select %ge3A_299, %add3A_286, %select_n3A_283 : vector<1x16xi1>, vector<1x16xi32>
    %add3A_301 = arith.constant 32768 : i32
    %add3A_302 = vector.broadcast %add3A_301 : i32 to vector<1x16xi32>
    %add3A_303 = arith.addi %select_n3A_300, %add3A_302 : vector<1x16xi32>
    %xor3A_304 = arith.constant -2147483648 : i32
    %xor3A_305 = vector.broadcast %xor3A_304 : i32 to vector<1x16xi32>
    %xor3A_306 = arith.xori %add3A_303, %xor3A_305 : vector<1x16xi32>
    %ge3A_307 = vector.broadcast %xor3A_306 : vector<1x16xi32> to vector<4096x16xi32>
    %ge3A_308 = arith.cmpi sge, %xor3A, %ge3A_307 : vector<4096x16xi32>
    %convert_element_type3A_309 = arith.extui %ge3A_308 : vector<4096x16xi1> to vector<4096x16xi32>
    %convert_element_type3A_310 = arith.sitofp %convert_element_type3A_309 : vector<4096x16xi32> to vector<4096x16xf32>
    %reduce_sum3A_311 = arith.constant dense<0.000000e+00> : vector<16xf32>
    %reduce_sum3A_312 = vector.multi_reduction <add>, %convert_element_type3A_310, %reduce_sum3A_311 [0] : vector<4096x16xf32> to vector<16xf32>
    %broadcast_in_dim3A_313 = vector.shape_cast %reduce_sum3A_312 : vector<16xf32> to vector<1x16xf32>
    %ge3A_314 = arith.constant 2.560000e+02 : f32
    %ge3A_315 = vector.broadcast %ge3A_314 : f32 to vector<1x16xf32>
    %ge3A_316 = arith.cmpf oge, %broadcast_in_dim3A_313, %ge3A_315 : vector<1x16xf32>
    %select_n3A_317 = arith.select %ge3A_316, %add3A_303, %select_n3A_300 : vector<1x16xi1>, vector<1x16xi32>
    %add3A_318 = arith.constant 16384 : i32
    %add3A_319 = vector.broadcast %add3A_318 : i32 to vector<1x16xi32>
    %add3A_320 = arith.addi %select_n3A_317, %add3A_319 : vector<1x16xi32>
    %xor3A_321 = arith.constant -2147483648 : i32
    %xor3A_322 = vector.broadcast %xor3A_321 : i32 to vector<1x16xi32>
    %xor3A_323 = arith.xori %add3A_320, %xor3A_322 : vector<1x16xi32>
    %ge3A_324 = vector.broadcast %xor3A_323 : vector<1x16xi32> to vector<4096x16xi32>
    %ge3A_325 = arith.cmpi sge, %xor3A, %ge3A_324 : vector<4096x16xi32>
    %convert_element_type3A_326 = arith.extui %ge3A_325 : vector<4096x16xi1> to vector<4096x16xi32>
    %convert_element_type3A_327 = arith.sitofp %convert_element_type3A_326 : vector<4096x16xi32> to vector<4096x16xf32>
    %reduce_sum3A_328 = arith.constant dense<0.000000e+00> : vector<16xf32>
    %reduce_sum3A_329 = vector.multi_reduction <add>, %convert_element_type3A_327, %reduce_sum3A_328 [0] : vector<4096x16xf32> to vector<16xf32>
    %broadcast_in_dim3A_330 = vector.shape_cast %reduce_sum3A_329 : vector<16xf32> to vector<1x16xf32>
    %ge3A_331 = arith.constant 2.560000e+02 : f32
    %ge3A_332 = vector.broadcast %ge3A_331 : f32 to vector<1x16xf32>
    %ge3A_333 = arith.cmpf oge, %broadcast_in_dim3A_330, %ge3A_332 : vector<1x16xf32>
    %select_n3A_334 = arith.select %ge3A_333, %add3A_320, %select_n3A_317 : vector<1x16xi1>, vector<1x16xi32>
    %add3A_335 = arith.constant 8192 : i32
    %add3A_336 = vector.broadcast %add3A_335 : i32 to vector<1x16xi32>
    %add3A_337 = arith.addi %select_n3A_334, %add3A_336 : vector<1x16xi32>
    %xor3A_338 = arith.constant -2147483648 : i32
    %xor3A_339 = vector.broadcast %xor3A_338 : i32 to vector<1x16xi32>
    %xor3A_340 = arith.xori %add3A_337, %xor3A_339 : vector<1x16xi32>
    %ge3A_341 = vector.broadcast %xor3A_340 : vector<1x16xi32> to vector<4096x16xi32>
    %ge3A_342 = arith.cmpi sge, %xor3A, %ge3A_341 : vector<4096x16xi32>
    %convert_element_type3A_343 = arith.extui %ge3A_342 : vector<4096x16xi1> to vector<4096x16xi32>
    %convert_element_type3A_344 = arith.sitofp %convert_element_type3A_343 : vector<4096x16xi32> to vector<4096x16xf32>
    %reduce_sum3A_345 = arith.constant dense<0.000000e+00> : vector<16xf32>
    %reduce_sum3A_346 = vector.multi_reduction <add>, %convert_element_type3A_344, %reduce_sum3A_345 [0] : vector<4096x16xf32> to vector<16xf32>
    %broadcast_in_dim3A_347 = vector.shape_cast %reduce_sum3A_346 : vector<16xf32> to vector<1x16xf32>
    %ge3A_348 = arith.constant 2.560000e+02 : f32
    %ge3A_349 = vector.broadcast %ge3A_348 : f32 to vector<1x16xf32>
    %ge3A_350 = arith.cmpf oge, %broadcast_in_dim3A_347, %ge3A_349 : vector<1x16xf32>
    %select_n3A_351 = arith.select %ge3A_350, %add3A_337, %select_n3A_334 : vector<1x16xi1>, vector<1x16xi32>
    %add3A_352 = arith.constant 4096 : i32
    %add3A_353 = vector.broadcast %add3A_352 : i32 to vector<1x16xi32>
    %add3A_354 = arith.addi %select_n3A_351, %add3A_353 : vector<1x16xi32>
    %xor3A_355 = arith.constant -2147483648 : i32
    %xor3A_356 = vector.broadcast %xor3A_355 : i32 to vector<1x16xi32>
    %xor3A_357 = arith.xori %add3A_354, %xor3A_356 : vector<1x16xi32>
    %ge3A_358 = vector.broadcast %xor3A_357 : vector<1x16xi32> to vector<4096x16xi32>
    %ge3A_359 = arith.cmpi sge, %xor3A, %ge3A_358 : vector<4096x16xi32>
    %convert_element_type3A_360 = arith.extui %ge3A_359 : vector<4096x16xi1> to vector<4096x16xi32>
    %convert_element_type3A_361 = arith.sitofp %convert_element_type3A_360 : vector<4096x16xi32> to vector<4096x16xf32>
    %reduce_sum3A_362 = arith.constant dense<0.000000e+00> : vector<16xf32>
    %reduce_sum3A_363 = vector.multi_reduction <add>, %convert_element_type3A_361, %reduce_sum3A_362 [0] : vector<4096x16xf32> to vector<16xf32>
    %broadcast_in_dim3A_364 = vector.shape_cast %reduce_sum3A_363 : vector<16xf32> to vector<1x16xf32>
    %ge3A_365 = arith.constant 2.560000e+02 : f32
    %ge3A_366 = vector.broadcast %ge3A_365 : f32 to vector<1x16xf32>
    %ge3A_367 = arith.cmpf oge, %broadcast_in_dim3A_364, %ge3A_366 : vector<1x16xf32>
    %select_n3A_368 = arith.select %ge3A_367, %add3A_354, %select_n3A_351 : vector<1x16xi1>, vector<1x16xi32>
    %add3A_369 = arith.constant 2048 : i32
    %add3A_370 = vector.broadcast %add3A_369 : i32 to vector<1x16xi32>
    %add3A_371 = arith.addi %select_n3A_368, %add3A_370 : vector<1x16xi32>
    %xor3A_372 = arith.constant -2147483648 : i32
    %xor3A_373 = vector.broadcast %xor3A_372 : i32 to vector<1x16xi32>
    %xor3A_374 = arith.xori %add3A_371, %xor3A_373 : vector<1x16xi32>
    %ge3A_375 = vector.broadcast %xor3A_374 : vector<1x16xi32> to vector<4096x16xi32>
    %ge3A_376 = arith.cmpi sge, %xor3A, %ge3A_375 : vector<4096x16xi32>
    %convert_element_type3A_377 = arith.extui %ge3A_376 : vector<4096x16xi1> to vector<4096x16xi32>
    %convert_element_type3A_378 = arith.sitofp %convert_element_type3A_377 : vector<4096x16xi32> to vector<4096x16xf32>
    %reduce_sum3A_379 = arith.constant dense<0.000000e+00> : vector<16xf32>
    %reduce_sum3A_380 = vector.multi_reduction <add>, %convert_element_type3A_378, %reduce_sum3A_379 [0] : vector<4096x16xf32> to vector<16xf32>
    %broadcast_in_dim3A_381 = vector.shape_cast %reduce_sum3A_380 : vector<16xf32> to vector<1x16xf32>
    %ge3A_382 = arith.constant 2.560000e+02 : f32
    %ge3A_383 = vector.broadcast %ge3A_382 : f32 to vector<1x16xf32>
    %ge3A_384 = arith.cmpf oge, %broadcast_in_dim3A_381, %ge3A_383 : vector<1x16xf32>
    %select_n3A_385 = arith.select %ge3A_384, %add3A_371, %select_n3A_368 : vector<1x16xi1>, vector<1x16xi32>
    %add3A_386 = arith.constant 1024 : i32
    %add3A_387 = vector.broadcast %add3A_386 : i32 to vector<1x16xi32>
    %add3A_388 = arith.addi %select_n3A_385, %add3A_387 : vector<1x16xi32>
    %xor3A_389 = arith.constant -2147483648 : i32
    %xor3A_390 = vector.broadcast %xor3A_389 : i32 to vector<1x16xi32>
    %xor3A_391 = arith.xori %add3A_388, %xor3A_390 : vector<1x16xi32>
    %ge3A_392 = vector.broadcast %xor3A_391 : vector<1x16xi32> to vector<4096x16xi32>
    %ge3A_393 = arith.cmpi sge, %xor3A, %ge3A_392 : vector<4096x16xi32>
    %convert_element_type3A_394 = arith.extui %ge3A_393 : vector<4096x16xi1> to vector<4096x16xi32>
    %convert_element_type3A_395 = arith.sitofp %convert_element_type3A_394 : vector<4096x16xi32> to vector<4096x16xf32>
    %reduce_sum3A_396 = arith.constant dense<0.000000e+00> : vector<16xf32>
    %reduce_sum3A_397 = vector.multi_reduction <add>, %convert_element_type3A_395, %reduce_sum3A_396 [0] : vector<4096x16xf32> to vector<16xf32>
    %broadcast_in_dim3A_398 = vector.shape_cast %reduce_sum3A_397 : vector<16xf32> to vector<1x16xf32>
    %ge3A_399 = arith.constant 2.560000e+02 : f32
    %ge3A_400 = vector.broadcast %ge3A_399 : f32 to vector<1x16xf32>
    %ge3A_401 = arith.cmpf oge, %broadcast_in_dim3A_398, %ge3A_400 : vector<1x16xf32>
    %select_n3A_402 = arith.select %ge3A_401, %add3A_388, %select_n3A_385 : vector<1x16xi1>, vector<1x16xi32>
    %add3A_403 = arith.constant 512 : i32
    %add3A_404 = vector.broadcast %add3A_403 : i32 to vector<1x16xi32>
    %add3A_405 = arith.addi %select_n3A_402, %add3A_404 : vector<1x16xi32>
    %xor3A_406 = arith.constant -2147483648 : i32
    %xor3A_407 = vector.broadcast %xor3A_406 : i32 to vector<1x16xi32>
    %xor3A_408 = arith.xori %add3A_405, %xor3A_407 : vector<1x16xi32>
    %ge3A_409 = vector.broadcast %xor3A_408 : vector<1x16xi32> to vector<4096x16xi32>
    %ge3A_410 = arith.cmpi sge, %xor3A, %ge3A_409 : vector<4096x16xi32>
    %convert_element_type3A_411 = arith.extui %ge3A_410 : vector<4096x16xi1> to vector<4096x16xi32>
    %convert_element_type3A_412 = arith.sitofp %convert_element_type3A_411 : vector<4096x16xi32> to vector<4096x16xf32>
    %reduce_sum3A_413 = arith.constant dense<0.000000e+00> : vector<16xf32>
    %reduce_sum3A_414 = vector.multi_reduction <add>, %convert_element_type3A_412, %reduce_sum3A_413 [0] : vector<4096x16xf32> to vector<16xf32>
    %broadcast_in_dim3A_415 = vector.shape_cast %reduce_sum3A_414 : vector<16xf32> to vector<1x16xf32>
    %ge3A_416 = arith.constant 2.560000e+02 : f32
    %ge3A_417 = vector.broadcast %ge3A_416 : f32 to vector<1x16xf32>
    %ge3A_418 = arith.cmpf oge, %broadcast_in_dim3A_415, %ge3A_417 : vector<1x16xf32>
    %select_n3A_419 = arith.select %ge3A_418, %add3A_405, %select_n3A_402 : vector<1x16xi1>, vector<1x16xi32>
    %add3A_420 = arith.constant 256 : i32
    %add3A_421 = vector.broadcast %add3A_420 : i32 to vector<1x16xi32>
    %add3A_422 = arith.addi %select_n3A_419, %add3A_421 : vector<1x16xi32>
    %xor3A_423 = arith.constant -2147483648 : i32
    %xor3A_424 = vector.broadcast %xor3A_423 : i32 to vector<1x16xi32>
    %xor3A_425 = arith.xori %add3A_422, %xor3A_424 : vector<1x16xi32>
    %ge3A_426 = vector.broadcast %xor3A_425 : vector<1x16xi32> to vector<4096x16xi32>
    %ge3A_427 = arith.cmpi sge, %xor3A, %ge3A_426 : vector<4096x16xi32>
    %convert_element_type3A_428 = arith.extui %ge3A_427 : vector<4096x16xi1> to vector<4096x16xi32>
    %convert_element_type3A_429 = arith.sitofp %convert_element_type3A_428 : vector<4096x16xi32> to vector<4096x16xf32>
    %reduce_sum3A_430 = arith.constant dense<0.000000e+00> : vector<16xf32>
    %reduce_sum3A_431 = vector.multi_reduction <add>, %convert_element_type3A_429, %reduce_sum3A_430 [0] : vector<4096x16xf32> to vector<16xf32>
    %broadcast_in_dim3A_432 = vector.shape_cast %reduce_sum3A_431 : vector<16xf32> to vector<1x16xf32>
    %ge3A_433 = arith.constant 2.560000e+02 : f32
    %ge3A_434 = vector.broadcast %ge3A_433 : f32 to vector<1x16xf32>
    %ge3A_435 = arith.cmpf oge, %broadcast_in_dim3A_432, %ge3A_434 : vector<1x16xf32>
    %select_n3A_436 = arith.select %ge3A_435, %add3A_422, %select_n3A_419 : vector<1x16xi1>, vector<1x16xi32>
    %add3A_437 = arith.constant 128 : i32
    %add3A_438 = vector.broadcast %add3A_437 : i32 to vector<1x16xi32>
    %add3A_439 = arith.addi %select_n3A_436, %add3A_438 : vector<1x16xi32>
    %xor3A_440 = arith.constant -2147483648 : i32
    %xor3A_441 = vector.broadcast %xor3A_440 : i32 to vector<1x16xi32>
    %xor3A_442 = arith.xori %add3A_439, %xor3A_441 : vector<1x16xi32>
    %ge3A_443 = vector.broadcast %xor3A_442 : vector<1x16xi32> to vector<4096x16xi32>
    %ge3A_444 = arith.cmpi sge, %xor3A, %ge3A_443 : vector<4096x16xi32>
    %convert_element_type3A_445 = arith.extui %ge3A_444 : vector<4096x16xi1> to vector<4096x16xi32>
    %convert_element_type3A_446 = arith.sitofp %convert_element_type3A_445 : vector<4096x16xi32> to vector<4096x16xf32>
    %reduce_sum3A_447 = arith.constant dense<0.000000e+00> : vector<16xf32>
    %reduce_sum3A_448 = vector.multi_reduction <add>, %convert_element_type3A_446, %reduce_sum3A_447 [0] : vector<4096x16xf32> to vector<16xf32>
    %broadcast_in_dim3A_449 = vector.shape_cast %reduce_sum3A_448 : vector<16xf32> to vector<1x16xf32>
    %ge3A_450 = arith.constant 2.560000e+02 : f32
    %ge3A_451 = vector.broadcast %ge3A_450 : f32 to vector<1x16xf32>
    %ge3A_452 = arith.cmpf oge, %broadcast_in_dim3A_449, %ge3A_451 : vector<1x16xf32>
    %select_n3A_453 = arith.select %ge3A_452, %add3A_439, %select_n3A_436 : vector<1x16xi1>, vector<1x16xi32>
    %add3A_454 = arith.constant 64 : i32
    %add3A_455 = vector.broadcast %add3A_454 : i32 to vector<1x16xi32>
    %add3A_456 = arith.addi %select_n3A_453, %add3A_455 : vector<1x16xi32>
    %xor3A_457 = arith.constant -2147483648 : i32
    %xor3A_458 = vector.broadcast %xor3A_457 : i32 to vector<1x16xi32>
    %xor3A_459 = arith.xori %add3A_456, %xor3A_458 : vector<1x16xi32>
    %ge3A_460 = vector.broadcast %xor3A_459 : vector<1x16xi32> to vector<4096x16xi32>
    %ge3A_461 = arith.cmpi sge, %xor3A, %ge3A_460 : vector<4096x16xi32>
    %convert_element_type3A_462 = arith.extui %ge3A_461 : vector<4096x16xi1> to vector<4096x16xi32>
    %convert_element_type3A_463 = arith.sitofp %convert_element_type3A_462 : vector<4096x16xi32> to vector<4096x16xf32>
    %reduce_sum3A_464 = arith.constant dense<0.000000e+00> : vector<16xf32>
    %reduce_sum3A_465 = vector.multi_reduction <add>, %convert_element_type3A_463, %reduce_sum3A_464 [0] : vector<4096x16xf32> to vector<16xf32>
    %broadcast_in_dim3A_466 = vector.shape_cast %reduce_sum3A_465 : vector<16xf32> to vector<1x16xf32>
    %ge3A_467 = arith.constant 2.560000e+02 : f32
    %ge3A_468 = vector.broadcast %ge3A_467 : f32 to vector<1x16xf32>
    %ge3A_469 = arith.cmpf oge, %broadcast_in_dim3A_466, %ge3A_468 : vector<1x16xf32>
    %select_n3A_470 = arith.select %ge3A_469, %add3A_456, %select_n3A_453 : vector<1x16xi1>, vector<1x16xi32>
    %add3A_471 = arith.constant 32 : i32
    %add3A_472 = vector.broadcast %add3A_471 : i32 to vector<1x16xi32>
    %add3A_473 = arith.addi %select_n3A_470, %add3A_472 : vector<1x16xi32>
    %xor3A_474 = arith.constant -2147483648 : i32
    %xor3A_475 = vector.broadcast %xor3A_474 : i32 to vector<1x16xi32>
    %xor3A_476 = arith.xori %add3A_473, %xor3A_475 : vector<1x16xi32>
    %ge3A_477 = vector.broadcast %xor3A_476 : vector<1x16xi32> to vector<4096x16xi32>
    %ge3A_478 = arith.cmpi sge, %xor3A, %ge3A_477 : vector<4096x16xi32>
    %convert_element_type3A_479 = arith.extui %ge3A_478 : vector<4096x16xi1> to vector<4096x16xi32>
    %convert_element_type3A_480 = arith.sitofp %convert_element_type3A_479 : vector<4096x16xi32> to vector<4096x16xf32>
    %reduce_sum3A_481 = arith.constant dense<0.000000e+00> : vector<16xf32>
    %reduce_sum3A_482 = vector.multi_reduction <add>, %convert_element_type3A_480, %reduce_sum3A_481 [0] : vector<4096x16xf32> to vector<16xf32>
    %broadcast_in_dim3A_483 = vector.shape_cast %reduce_sum3A_482 : vector<16xf32> to vector<1x16xf32>
    %ge3A_484 = arith.constant 2.560000e+02 : f32
    %ge3A_485 = vector.broadcast %ge3A_484 : f32 to vector<1x16xf32>
    %ge3A_486 = arith.cmpf oge, %broadcast_in_dim3A_483, %ge3A_485 : vector<1x16xf32>
    %select_n3A_487 = arith.select %ge3A_486, %add3A_473, %select_n3A_470 : vector<1x16xi1>, vector<1x16xi32>
    %add3A_488 = arith.constant 16 : i32
    %add3A_489 = vector.broadcast %add3A_488 : i32 to vector<1x16xi32>
    %add3A_490 = arith.addi %select_n3A_487, %add3A_489 : vector<1x16xi32>
    %xor3A_491 = arith.constant -2147483648 : i32
    %xor3A_492 = vector.broadcast %xor3A_491 : i32 to vector<1x16xi32>
    %xor3A_493 = arith.xori %add3A_490, %xor3A_492 : vector<1x16xi32>
    %ge3A_494 = vector.broadcast %xor3A_493 : vector<1x16xi32> to vector<4096x16xi32>
    %ge3A_495 = arith.cmpi sge, %xor3A, %ge3A_494 : vector<4096x16xi32>
    %convert_element_type3A_496 = arith.extui %ge3A_495 : vector<4096x16xi1> to vector<4096x16xi32>
    %convert_element_type3A_497 = arith.sitofp %convert_element_type3A_496 : vector<4096x16xi32> to vector<4096x16xf32>
    %reduce_sum3A_498 = arith.constant dense<0.000000e+00> : vector<16xf32>
    %reduce_sum3A_499 = vector.multi_reduction <add>, %convert_element_type3A_497, %reduce_sum3A_498 [0] : vector<4096x16xf32> to vector<16xf32>
    %broadcast_in_dim3A_500 = vector.shape_cast %reduce_sum3A_499 : vector<16xf32> to vector<1x16xf32>
    %ge3A_501 = arith.constant 2.560000e+02 : f32
    %ge3A_502 = vector.broadcast %ge3A_501 : f32 to vector<1x16xf32>
    %ge3A_503 = arith.cmpf oge, %broadcast_in_dim3A_500, %ge3A_502 : vector<1x16xf32>
    %select_n3A_504 = arith.select %ge3A_503, %add3A_490, %select_n3A_487 : vector<1x16xi1>, vector<1x16xi32>
    %add3A_505 = arith.constant 8 : i32
    %add3A_506 = vector.broadcast %add3A_505 : i32 to vector<1x16xi32>
    %add3A_507 = arith.addi %select_n3A_504, %add3A_506 : vector<1x16xi32>
    %xor3A_508 = arith.constant -2147483648 : i32
    %xor3A_509 = vector.broadcast %xor3A_508 : i32 to vector<1x16xi32>
    %xor3A_510 = arith.xori %add3A_507, %xor3A_509 : vector<1x16xi32>
    %ge3A_511 = vector.broadcast %xor3A_510 : vector<1x16xi32> to vector<4096x16xi32>
    %ge3A_512 = arith.cmpi sge, %xor3A, %ge3A_511 : vector<4096x16xi32>
    %convert_element_type3A_513 = arith.extui %ge3A_512 : vector<4096x16xi1> to vector<4096x16xi32>
    %convert_element_type3A_514 = arith.sitofp %convert_element_type3A_513 : vector<4096x16xi32> to vector<4096x16xf32>
    %reduce_sum3A_515 = arith.constant dense<0.000000e+00> : vector<16xf32>
    %reduce_sum3A_516 = vector.multi_reduction <add>, %convert_element_type3A_514, %reduce_sum3A_515 [0] : vector<4096x16xf32> to vector<16xf32>
    %broadcast_in_dim3A_517 = vector.shape_cast %reduce_sum3A_516 : vector<16xf32> to vector<1x16xf32>
    %ge3A_518 = arith.constant 2.560000e+02 : f32
    %ge3A_519 = vector.broadcast %ge3A_518 : f32 to vector<1x16xf32>
    %ge3A_520 = arith.cmpf oge, %broadcast_in_dim3A_517, %ge3A_519 : vector<1x16xf32>
    %select_n3A_521 = arith.select %ge3A_520, %add3A_507, %select_n3A_504 : vector<1x16xi1>, vector<1x16xi32>
    %add3A_522 = arith.constant 4 : i32
    %add3A_523 = vector.broadcast %add3A_522 : i32 to vector<1x16xi32>
    %add3A_524 = arith.addi %select_n3A_521, %add3A_523 : vector<1x16xi32>
    %xor3A_525 = arith.constant -2147483648 : i32
    %xor3A_526 = vector.broadcast %xor3A_525 : i32 to vector<1x16xi32>
    %xor3A_527 = arith.xori %add3A_524, %xor3A_526 : vector<1x16xi32>
    %ge3A_528 = vector.broadcast %xor3A_527 : vector<1x16xi32> to vector<4096x16xi32>
    %ge3A_529 = arith.cmpi sge, %xor3A, %ge3A_528 : vector<4096x16xi32>
    %convert_element_type3A_530 = arith.extui %ge3A_529 : vector<4096x16xi1> to vector<4096x16xi32>
    %convert_element_type3A_531 = arith.sitofp %convert_element_type3A_530 : vector<4096x16xi32> to vector<4096x16xf32>
    %reduce_sum3A_532 = arith.constant dense<0.000000e+00> : vector<16xf32>
    %reduce_sum3A_533 = vector.multi_reduction <add>, %convert_element_type3A_531, %reduce_sum3A_532 [0] : vector<4096x16xf32> to vector<16xf32>
    %broadcast_in_dim3A_534 = vector.shape_cast %reduce_sum3A_533 : vector<16xf32> to vector<1x16xf32>
    %ge3A_535 = arith.constant 2.560000e+02 : f32
    %ge3A_536 = vector.broadcast %ge3A_535 : f32 to vector<1x16xf32>
    %ge3A_537 = arith.cmpf oge, %broadcast_in_dim3A_534, %ge3A_536 : vector<1x16xf32>
    %select_n3A_538 = arith.select %ge3A_537, %add3A_524, %select_n3A_521 : vector<1x16xi1>, vector<1x16xi32>
    %add3A_539 = arith.constant 2 : i32
    %add3A_540 = vector.broadcast %add3A_539 : i32 to vector<1x16xi32>
    %add3A_541 = arith.addi %select_n3A_538, %add3A_540 : vector<1x16xi32>
    %xor3A_542 = arith.constant -2147483648 : i32
    %xor3A_543 = vector.broadcast %xor3A_542 : i32 to vector<1x16xi32>
    %xor3A_544 = arith.xori %add3A_541, %xor3A_543 : vector<1x16xi32>
    %ge3A_545 = vector.broadcast %xor3A_544 : vector<1x16xi32> to vector<4096x16xi32>
    %ge3A_546 = arith.cmpi sge, %xor3A, %ge3A_545 : vector<4096x16xi32>
    %convert_element_type3A_547 = arith.extui %ge3A_546 : vector<4096x16xi1> to vector<4096x16xi32>
    %convert_element_type3A_548 = arith.sitofp %convert_element_type3A_547 : vector<4096x16xi32> to vector<4096x16xf32>
    %reduce_sum3A_549 = arith.constant dense<0.000000e+00> : vector<16xf32>
    %reduce_sum3A_550 = vector.multi_reduction <add>, %convert_element_type3A_548, %reduce_sum3A_549 [0] : vector<4096x16xf32> to vector<16xf32>
    %broadcast_in_dim3A_551 = vector.shape_cast %reduce_sum3A_550 : vector<16xf32> to vector<1x16xf32>
    %ge3A_552 = arith.constant 2.560000e+02 : f32
    %ge3A_553 = vector.broadcast %ge3A_552 : f32 to vector<1x16xf32>
    %ge3A_554 = arith.cmpf oge, %broadcast_in_dim3A_551, %ge3A_553 : vector<1x16xf32>
    %select_n3A_555 = arith.select %ge3A_554, %add3A_541, %select_n3A_538 : vector<1x16xi1>, vector<1x16xi32>
    %add3A_556 = arith.constant 1 : i32
    %add3A_557 = vector.broadcast %add3A_556 : i32 to vector<1x16xi32>
    %add3A_558 = arith.addi %select_n3A_555, %add3A_557 : vector<1x16xi32>
    %xor3A_559 = arith.constant -2147483648 : i32
    %xor3A_560 = vector.broadcast %xor3A_559 : i32 to vector<1x16xi32>
    %xor3A_561 = arith.xori %add3A_558, %xor3A_560 : vector<1x16xi32>
    %ge3A_562 = vector.broadcast %xor3A_561 : vector<1x16xi32> to vector<4096x16xi32>
    %ge3A_563 = arith.cmpi sge, %xor3A, %ge3A_562 : vector<4096x16xi32>
    %convert_element_type3A_564 = arith.extui %ge3A_563 : vector<4096x16xi1> to vector<4096x16xi32>
    %convert_element_type3A_565 = arith.sitofp %convert_element_type3A_564 : vector<4096x16xi32> to vector<4096x16xf32>
    %reduce_sum3A_566 = arith.constant dense<0.000000e+00> : vector<16xf32>
    %reduce_sum3A_567 = vector.multi_reduction <add>, %convert_element_type3A_565, %reduce_sum3A_566 [0] : vector<4096x16xf32> to vector<16xf32>
    %broadcast_in_dim3A_568 = vector.shape_cast %reduce_sum3A_567 : vector<16xf32> to vector<1x16xf32>
    %ge3A_569 = arith.constant 2.560000e+02 : f32
    %ge3A_570 = vector.broadcast %ge3A_569 : f32 to vector<1x16xf32>
    %ge3A_571 = arith.cmpf oge, %broadcast_in_dim3A_568, %ge3A_570 : vector<1x16xf32>
    %select_n3A_572 = arith.select %ge3A_571, %add3A_558, %select_n3A_555 : vector<1x16xi1>, vector<1x16xi32>
    %xor3A_573 = arith.constant -2147483648 : i32
    %xor3A_574 = vector.broadcast %xor3A_573 : i32 to vector<1x16xi32>
    %xor3A_575 = arith.xori %select_n3A_572, %xor3A_574 : vector<1x16xi32>
    %gt3A = vector.broadcast %xor3A_575 : vector<1x16xi32> to vector<4096x16xi32>
    %gt3A_576 = arith.cmpi sgt, %xor3A, %gt3A : vector<4096x16xi32>
    %eq3A = vector.broadcast %xor3A_575 : vector<1x16xi32> to vector<4096x16xi32>
    %eq3A_577 = arith.cmpi eq, %xor3A, %eq3A : vector<4096x16xi32>
    %convert_element_type3A_578 = arith.extui %gt3A_576 : vector<4096x16xi1> to vector<4096x16xi32>
    %convert_element_type3A_579 = arith.sitofp %convert_element_type3A_578 : vector<4096x16xi32> to vector<4096x16xf32>
    %reduce_sum3A_580 = arith.constant dense<0.000000e+00> : vector<16xf32>
    %reduce_sum3A_581 = vector.multi_reduction <add>, %convert_element_type3A_579, %reduce_sum3A_580 [0] : vector<4096x16xf32> to vector<16xf32>
    %broadcast_in_dim3A_582 = vector.shape_cast %reduce_sum3A_581 : vector<16xf32> to vector<1x16xf32>
    %sub3A = arith.constant 2.560000e+02 : f32
    %sub3A_583 = vector.broadcast %sub3A : f32 to vector<1x16xf32>
    %sub3A_584 = arith.subf %sub3A_583, %broadcast_in_dim3A_582 : vector<1x16xf32>
    %convert_element_type3A_585 = arith.extui %eq3A_577 : vector<4096x16xi1> to vector<4096x16xi32>
    %convert_element_type3A_586 = arith.sitofp %convert_element_type3A_585 : vector<4096x16xi32> to vector<4096x16xf32>
    %iota3A = tpu.iota {dimensions = array<i32: 0>} : vector<512x512xi32>
    %iota3A_587 = tpu.iota {dimensions = array<i32: 1>} : vector<512x512xi32>
    %lt3A = arith.cmpi slt, %iota3A_587, %iota3A : vector<512x512xi32>
    %convert_element_type3A_588 = arith.extui %lt3A : vector<512x512xi1> to vector<512x512xi32>
    %convert_element_type3A_589 = arith.sitofp %convert_element_type3A_588 : vector<512x512xi32> to vector<512x512xf32>
    %broadcast_in_dim3A_590 = arith.constant 0.000000e+00 : f32
    %broadcast_in_dim3A_591 = vector.broadcast %broadcast_in_dim3A_590 : f32 to vector<1x16xf32>
    %slice3A = vector.extract_strided_slice %convert_element_type3A_586 {offsets = [0, 0], sizes = [512, 16], strides = [1, 1]} : vector<4096x16xf32> to vector<512x16xf32>
    %dot_general3A_592 = arith.constant dense<0.000000e+00> : vector<512x16xf32>
    %dot_general3A_593 = tpu.matmul %convert_element_type3A_589, %slice3A, %dot_general3A_592 {dimension_numbers = #tpu.dot_dimension_numbers<[1], [0], [0], [1], [0, 0, 1, 1], [], []>, transpose_lhs_hint = false} : vector<512x512xf32>, vector<512x16xf32>, vector<512x16xf32> -> vector<512x16xf32>
    %add3A_594 = vector.broadcast %broadcast_in_dim3A_591 : vector<1x16xf32> to vector<512x16xf32>
    %add3A_595 = arith.addf %dot_general3A_593, %add3A_594 : vector<512x16xf32>
    %reduce_sum3A_596 = arith.constant dense<0.000000e+00> : vector<16xf32>
    %reduce_sum3A_597 = vector.multi_reduction <add>, %slice3A, %reduce_sum3A_596 [0] : vector<512x16xf32> to vector<16xf32>
    %broadcast_in_dim3A_598 = vector.shape_cast %reduce_sum3A_597 : vector<16xf32> to vector<1x16xf32>
    %add3A_599 = arith.addf %broadcast_in_dim3A_591, %broadcast_in_dim3A_598 : vector<1x16xf32>
    %slice3A_600 = vector.extract_strided_slice %convert_element_type3A_586 {offsets = [512, 0], sizes = [512, 16], strides = [1, 1]} : vector<4096x16xf32> to vector<512x16xf32>
    %dot_general3A_601 = arith.constant dense<0.000000e+00> : vector<512x16xf32>
    %dot_general3A_602 = tpu.matmul %convert_element_type3A_589, %slice3A_600, %dot_general3A_601 {dimension_numbers = #tpu.dot_dimension_numbers<[1], [0], [0], [1], [0, 0, 1, 1], [], []>, transpose_lhs_hint = false} : vector<512x512xf32>, vector<512x16xf32>, vector<512x16xf32> -> vector<512x16xf32>
    %add3A_603 = vector.broadcast %add3A_599 : vector<1x16xf32> to vector<512x16xf32>
    %add3A_604 = arith.addf %dot_general3A_602, %add3A_603 : vector<512x16xf32>
    %reduce_sum3A_605 = arith.constant dense<0.000000e+00> : vector<16xf32>
    %reduce_sum3A_606 = vector.multi_reduction <add>, %slice3A_600, %reduce_sum3A_605 [0] : vector<512x16xf32> to vector<16xf32>
    %broadcast_in_dim3A_607 = vector.shape_cast %reduce_sum3A_606 : vector<16xf32> to vector<1x16xf32>
    %add3A_608 = arith.addf %add3A_599, %broadcast_in_dim3A_607 : vector<1x16xf32>
    %slice3A_609 = vector.extract_strided_slice %convert_element_type3A_586 {offsets = [1024, 0], sizes = [512, 16], strides = [1, 1]} : vector<4096x16xf32> to vector<512x16xf32>
    %dot_general3A_610 = arith.constant dense<0.000000e+00> : vector<512x16xf32>
    %dot_general3A_611 = tpu.matmul %convert_element_type3A_589, %slice3A_609, %dot_general3A_610 {dimension_numbers = #tpu.dot_dimension_numbers<[1], [0], [0], [1], [0, 0, 1, 1], [], []>, transpose_lhs_hint = false} : vector<512x512xf32>, vector<512x16xf32>, vector<512x16xf32> -> vector<512x16xf32>
    %add3A_612 = vector.broadcast %add3A_608 : vector<1x16xf32> to vector<512x16xf32>
    %add3A_613 = arith.addf %dot_general3A_611, %add3A_612 : vector<512x16xf32>
    %reduce_sum3A_614 = arith.constant dense<0.000000e+00> : vector<16xf32>
    %reduce_sum3A_615 = vector.multi_reduction <add>, %slice3A_609, %reduce_sum3A_614 [0] : vector<512x16xf32> to vector<16xf32>
    %broadcast_in_dim3A_616 = vector.shape_cast %reduce_sum3A_615 : vector<16xf32> to vector<1x16xf32>
    %add3A_617 = arith.addf %add3A_608, %broadcast_in_dim3A_616 : vector<1x16xf32>
    %slice3A_618 = vector.extract_strided_slice %convert_element_type3A_586 {offsets = [1536, 0], sizes = [512, 16], strides = [1, 1]} : vector<4096x16xf32> to vector<512x16xf32>
    %dot_general3A_619 = arith.constant dense<0.000000e+00> : vector<512x16xf32>
    %dot_general3A_620 = tpu.matmul %convert_element_type3A_589, %slice3A_618, %dot_general3A_619 {dimension_numbers = #tpu.dot_dimension_numbers<[1], [0], [0], [1], [0, 0, 1, 1], [], []>, transpose_lhs_hint = false} : vector<512x512xf32>, vector<512x16xf32>, vector<512x16xf32> -> vector<512x16xf32>
    %add3A_621 = vector.broadcast %add3A_617 : vector<1x16xf32> to vector<512x16xf32>
    %add3A_622 = arith.addf %dot_general3A_620, %add3A_621 : vector<512x16xf32>
    %reduce_sum3A_623 = arith.constant dense<0.000000e+00> : vector<16xf32>
    %reduce_sum3A_624 = vector.multi_reduction <add>, %slice3A_618, %reduce_sum3A_623 [0] : vector<512x16xf32> to vector<16xf32>
    %broadcast_in_dim3A_625 = vector.shape_cast %reduce_sum3A_624 : vector<16xf32> to vector<1x16xf32>
    %add3A_626 = arith.addf %add3A_617, %broadcast_in_dim3A_625 : vector<1x16xf32>
    %slice3A_627 = vector.extract_strided_slice %convert_element_type3A_586 {offsets = [2048, 0], sizes = [512, 16], strides = [1, 1]} : vector<4096x16xf32> to vector<512x16xf32>
    %dot_general3A_628 = arith.constant dense<0.000000e+00> : vector<512x16xf32>
    %dot_general3A_629 = tpu.matmul %convert_element_type3A_589, %slice3A_627, %dot_general3A_628 {dimension_numbers = #tpu.dot_dimension_numbers<[1], [0], [0], [1], [0, 0, 1, 1], [], []>, transpose_lhs_hint = false} : vector<512x512xf32>, vector<512x16xf32>, vector<512x16xf32> -> vector<512x16xf32>
    %add3A_630 = vector.broadcast %add3A_626 : vector<1x16xf32> to vector<512x16xf32>
    %add3A_631 = arith.addf %dot_general3A_629, %add3A_630 : vector<512x16xf32>
    %reduce_sum3A_632 = arith.constant dense<0.000000e+00> : vector<16xf32>
    %reduce_sum3A_633 = vector.multi_reduction <add>, %slice3A_627, %reduce_sum3A_632 [0] : vector<512x16xf32> to vector<16xf32>
    %broadcast_in_dim3A_634 = vector.shape_cast %reduce_sum3A_633 : vector<16xf32> to vector<1x16xf32>
    %add3A_635 = arith.addf %add3A_626, %broadcast_in_dim3A_634 : vector<1x16xf32>
    %slice3A_636 = vector.extract_strided_slice %convert_element_type3A_586 {offsets = [2560, 0], sizes = [512, 16], strides = [1, 1]} : vector<4096x16xf32> to vector<512x16xf32>
    %dot_general3A_637 = arith.constant dense<0.000000e+00> : vector<512x16xf32>
    %dot_general3A_638 = tpu.matmul %convert_element_type3A_589, %slice3A_636, %dot_general3A_637 {dimension_numbers = #tpu.dot_dimension_numbers<[1], [0], [0], [1], [0, 0, 1, 1], [], []>, transpose_lhs_hint = false} : vector<512x512xf32>, vector<512x16xf32>, vector<512x16xf32> -> vector<512x16xf32>
    %add3A_639 = vector.broadcast %add3A_635 : vector<1x16xf32> to vector<512x16xf32>
    %add3A_640 = arith.addf %dot_general3A_638, %add3A_639 : vector<512x16xf32>
    %reduce_sum3A_641 = arith.constant dense<0.000000e+00> : vector<16xf32>
    %reduce_sum3A_642 = vector.multi_reduction <add>, %slice3A_636, %reduce_sum3A_641 [0] : vector<512x16xf32> to vector<16xf32>
    %broadcast_in_dim3A_643 = vector.shape_cast %reduce_sum3A_642 : vector<16xf32> to vector<1x16xf32>
    %add3A_644 = arith.addf %add3A_635, %broadcast_in_dim3A_643 : vector<1x16xf32>
    %slice3A_645 = vector.extract_strided_slice %convert_element_type3A_586 {offsets = [3072, 0], sizes = [512, 16], strides = [1, 1]} : vector<4096x16xf32> to vector<512x16xf32>
    %dot_general3A_646 = arith.constant dense<0.000000e+00> : vector<512x16xf32>
    %dot_general3A_647 = tpu.matmul %convert_element_type3A_589, %slice3A_645, %dot_general3A_646 {dimension_numbers = #tpu.dot_dimension_numbers<[1], [0], [0], [1], [0, 0, 1, 1], [], []>, transpose_lhs_hint = false} : vector<512x512xf32>, vector<512x16xf32>, vector<512x16xf32> -> vector<512x16xf32>
    %add3A_648 = vector.broadcast %add3A_644 : vector<1x16xf32> to vector<512x16xf32>
    %add3A_649 = arith.addf %dot_general3A_647, %add3A_648 : vector<512x16xf32>
    %reduce_sum3A_650 = arith.constant dense<0.000000e+00> : vector<16xf32>
    %reduce_sum3A_651 = vector.multi_reduction <add>, %slice3A_645, %reduce_sum3A_650 [0] : vector<512x16xf32> to vector<16xf32>
    %broadcast_in_dim3A_652 = vector.shape_cast %reduce_sum3A_651 : vector<16xf32> to vector<1x16xf32>
    %add3A_653 = arith.addf %add3A_644, %broadcast_in_dim3A_652 : vector<1x16xf32>
    %slice3A_654 = vector.extract_strided_slice %convert_element_type3A_586 {offsets = [3584, 0], sizes = [512, 16], strides = [1, 1]} : vector<4096x16xf32> to vector<512x16xf32>
    %dot_general3A_655 = arith.constant dense<0.000000e+00> : vector<512x16xf32>
    %dot_general3A_656 = tpu.matmul %convert_element_type3A_589, %slice3A_654, %dot_general3A_655 {dimension_numbers = #tpu.dot_dimension_numbers<[1], [0], [0], [1], [0, 0, 1, 1], [], []>, transpose_lhs_hint = false} : vector<512x512xf32>, vector<512x16xf32>, vector<512x16xf32> -> vector<512x16xf32>
    %add3A_657 = vector.broadcast %add3A_653 : vector<1x16xf32> to vector<512x16xf32>
    %add3A_658 = arith.addf %dot_general3A_656, %add3A_657 : vector<512x16xf32>
    %concatenate3A_659 = tpu.concatenate %add3A_595, %add3A_604, %add3A_613, %add3A_622, %add3A_631, %add3A_640, %add3A_649, %add3A_658 in 0 : vector<512x16xf32>, vector<512x16xf32>, vector<512x16xf32>, vector<512x16xf32>, vector<512x16xf32>, vector<512x16xf32>, vector<512x16xf32>, vector<512x16xf32> -> vector<4096x16xf32>
    %lt3A_660 = vector.broadcast %sub3A_584 : vector<1x16xf32> to vector<4096x16xf32>
    %lt3A_661 = arith.cmpf olt, %concatenate3A_659, %lt3A_660 : vector<4096x16xf32>
    %and3A_662 = arith.andi %eq3A_577, %lt3A_661 : vector<4096x16xi1>
    %or3A = arith.ori %gt3A_576, %and3A_662 : vector<4096x16xi1>
    %convert_element_type3A_663 = arith.extui %or3A : vector<4096x16xi1> to vector<4096x16xi32>
    %convert_element_type3A_664 = arith.sitofp %convert_element_type3A_663 : vector<4096x16xi32> to vector<4096x16xf32>
    %iota3A_665 = tpu.iota {dimensions = array<i32: 0>} : vector<512x512xi32>
    %iota3A_666 = tpu.iota {dimensions = array<i32: 1>} : vector<512x512xi32>
    %lt3A_667 = arith.cmpi slt, %iota3A_666, %iota3A_665 : vector<512x512xi32>
    %convert_element_type3A_668 = arith.extui %lt3A_667 : vector<512x512xi1> to vector<512x512xi32>
    %convert_element_type3A_669 = arith.sitofp %convert_element_type3A_668 : vector<512x512xi32> to vector<512x512xf32>
    %broadcast_in_dim3A_670 = arith.constant 0.000000e+00 : f32
    %broadcast_in_dim3A_671 = vector.broadcast %broadcast_in_dim3A_670 : f32 to vector<1x16xf32>
    %slice3A_672 = vector.extract_strided_slice %convert_element_type3A_664 {offsets = [0, 0], sizes = [512, 16], strides = [1, 1]} : vector<4096x16xf32> to vector<512x16xf32>
    %dot_general3A_673 = arith.constant dense<0.000000e+00> : vector<512x16xf32>
    %dot_general3A_674 = tpu.matmul %convert_element_type3A_669, %slice3A_672, %dot_general3A_673 {dimension_numbers = #tpu.dot_dimension_numbers<[1], [0], [0], [1], [0, 0, 1, 1], [], []>, transpose_lhs_hint = false} : vector<512x512xf32>, vector<512x16xf32>, vector<512x16xf32> -> vector<512x16xf32>
    %add3A_675 = vector.broadcast %broadcast_in_dim3A_671 : vector<1x16xf32> to vector<512x16xf32>
    %add3A_676 = arith.addf %dot_general3A_674, %add3A_675 : vector<512x16xf32>
    %reduce_sum3A_677 = arith.constant dense<0.000000e+00> : vector<16xf32>
    %reduce_sum3A_678 = vector.multi_reduction <add>, %slice3A_672, %reduce_sum3A_677 [0] : vector<512x16xf32> to vector<16xf32>
    %broadcast_in_dim3A_679 = vector.shape_cast %reduce_sum3A_678 : vector<16xf32> to vector<1x16xf32>
    %add3A_680 = arith.addf %broadcast_in_dim3A_671, %broadcast_in_dim3A_679 : vector<1x16xf32>
    %slice3A_681 = vector.extract_strided_slice %convert_element_type3A_664 {offsets = [512, 0], sizes = [512, 16], strides = [1, 1]} : vector<4096x16xf32> to vector<512x16xf32>
    %dot_general3A_682 = arith.constant dense<0.000000e+00> : vector<512x16xf32>
    %dot_general3A_683 = tpu.matmul %convert_element_type3A_669, %slice3A_681, %dot_general3A_682 {dimension_numbers = #tpu.dot_dimension_numbers<[1], [0], [0], [1], [0, 0, 1, 1], [], []>, transpose_lhs_hint = false} : vector<512x512xf32>, vector<512x16xf32>, vector<512x16xf32> -> vector<512x16xf32>
    %add3A_684 = vector.broadcast %add3A_680 : vector<1x16xf32> to vector<512x16xf32>
    %add3A_685 = arith.addf %dot_general3A_683, %add3A_684 : vector<512x16xf32>
    %reduce_sum3A_686 = arith.constant dense<0.000000e+00> : vector<16xf32>
    %reduce_sum3A_687 = vector.multi_reduction <add>, %slice3A_681, %reduce_sum3A_686 [0] : vector<512x16xf32> to vector<16xf32>
    %broadcast_in_dim3A_688 = vector.shape_cast %reduce_sum3A_687 : vector<16xf32> to vector<1x16xf32>
    %add3A_689 = arith.addf %add3A_680, %broadcast_in_dim3A_688 : vector<1x16xf32>
    %slice3A_690 = vector.extract_strided_slice %convert_element_type3A_664 {offsets = [1024, 0], sizes = [512, 16], strides = [1, 1]} : vector<4096x16xf32> to vector<512x16xf32>
    %dot_general3A_691 = arith.constant dense<0.000000e+00> : vector<512x16xf32>
    %dot_general3A_692 = tpu.matmul %convert_element_type3A_669, %slice3A_690, %dot_general3A_691 {dimension_numbers = #tpu.dot_dimension_numbers<[1], [0], [0], [1], [0, 0, 1, 1], [], []>, transpose_lhs_hint = false} : vector<512x512xf32>, vector<512x16xf32>, vector<512x16xf32> -> vector<512x16xf32>
    %add3A_693 = vector.broadcast %add3A_689 : vector<1x16xf32> to vector<512x16xf32>
    %add3A_694 = arith.addf %dot_general3A_692, %add3A_693 : vector<512x16xf32>
    %reduce_sum3A_695 = arith.constant dense<0.000000e+00> : vector<16xf32>
    %reduce_sum3A_696 = vector.multi_reduction <add>, %slice3A_690, %reduce_sum3A_695 [0] : vector<512x16xf32> to vector<16xf32>
    %broadcast_in_dim3A_697 = vector.shape_cast %reduce_sum3A_696 : vector<16xf32> to vector<1x16xf32>
    %add3A_698 = arith.addf %add3A_689, %broadcast_in_dim3A_697 : vector<1x16xf32>
    %slice3A_699 = vector.extract_strided_slice %convert_element_type3A_664 {offsets = [1536, 0], sizes = [512, 16], strides = [1, 1]} : vector<4096x16xf32> to vector<512x16xf32>
    %dot_general3A_700 = arith.constant dense<0.000000e+00> : vector<512x16xf32>
    %dot_general3A_701 = tpu.matmul %convert_element_type3A_669, %slice3A_699, %dot_general3A_700 {dimension_numbers = #tpu.dot_dimension_numbers<[1], [0], [0], [1], [0, 0, 1, 1], [], []>, transpose_lhs_hint = false} : vector<512x512xf32>, vector<512x16xf32>, vector<512x16xf32> -> vector<512x16xf32>
    %add3A_702 = vector.broadcast %add3A_698 : vector<1x16xf32> to vector<512x16xf32>
    %add3A_703 = arith.addf %dot_general3A_701, %add3A_702 : vector<512x16xf32>
    %reduce_sum3A_704 = arith.constant dense<0.000000e+00> : vector<16xf32>
    %reduce_sum3A_705 = vector.multi_reduction <add>, %slice3A_699, %reduce_sum3A_704 [0] : vector<512x16xf32> to vector<16xf32>
    %broadcast_in_dim3A_706 = vector.shape_cast %reduce_sum3A_705 : vector<16xf32> to vector<1x16xf32>
    %add3A_707 = arith.addf %add3A_698, %broadcast_in_dim3A_706 : vector<1x16xf32>
    %slice3A_708 = vector.extract_strided_slice %convert_element_type3A_664 {offsets = [2048, 0], sizes = [512, 16], strides = [1, 1]} : vector<4096x16xf32> to vector<512x16xf32>
    %dot_general3A_709 = arith.constant dense<0.000000e+00> : vector<512x16xf32>
    %dot_general3A_710 = tpu.matmul %convert_element_type3A_669, %slice3A_708, %dot_general3A_709 {dimension_numbers = #tpu.dot_dimension_numbers<[1], [0], [0], [1], [0, 0, 1, 1], [], []>, transpose_lhs_hint = false} : vector<512x512xf32>, vector<512x16xf32>, vector<512x16xf32> -> vector<512x16xf32>
    %add3A_711 = vector.broadcast %add3A_707 : vector<1x16xf32> to vector<512x16xf32>
    %add3A_712 = arith.addf %dot_general3A_710, %add3A_711 : vector<512x16xf32>
    %reduce_sum3A_713 = arith.constant dense<0.000000e+00> : vector<16xf32>
    %reduce_sum3A_714 = vector.multi_reduction <add>, %slice3A_708, %reduce_sum3A_713 [0] : vector<512x16xf32> to vector<16xf32>
    %broadcast_in_dim3A_715 = vector.shape_cast %reduce_sum3A_714 : vector<16xf32> to vector<1x16xf32>
    %add3A_716 = arith.addf %add3A_707, %broadcast_in_dim3A_715 : vector<1x16xf32>
    %slice3A_717 = vector.extract_strided_slice %convert_element_type3A_664 {offsets = [2560, 0], sizes = [512, 16], strides = [1, 1]} : vector<4096x16xf32> to vector<512x16xf32>
    %dot_general3A_718 = arith.constant dense<0.000000e+00> : vector<512x16xf32>
    %dot_general3A_719 = tpu.matmul %convert_element_type3A_669, %slice3A_717, %dot_general3A_718 {dimension_numbers = #tpu.dot_dimension_numbers<[1], [0], [0], [1], [0, 0, 1, 1], [], []>, transpose_lhs_hint = false} : vector<512x512xf32>, vector<512x16xf32>, vector<512x16xf32> -> vector<512x16xf32>
    %add3A_720 = vector.broadcast %add3A_716 : vector<1x16xf32> to vector<512x16xf32>
    %add3A_721 = arith.addf %dot_general3A_719, %add3A_720 : vector<512x16xf32>
    %reduce_sum3A_722 = arith.constant dense<0.000000e+00> : vector<16xf32>
    %reduce_sum3A_723 = vector.multi_reduction <add>, %slice3A_717, %reduce_sum3A_722 [0] : vector<512x16xf32> to vector<16xf32>
    %broadcast_in_dim3A_724 = vector.shape_cast %reduce_sum3A_723 : vector<16xf32> to vector<1x16xf32>
    %add3A_725 = arith.addf %add3A_716, %broadcast_in_dim3A_724 : vector<1x16xf32>
    %slice3A_726 = vector.extract_strided_slice %convert_element_type3A_664 {offsets = [3072, 0], sizes = [512, 16], strides = [1, 1]} : vector<4096x16xf32> to vector<512x16xf32>
    %dot_general3A_727 = arith.constant dense<0.000000e+00> : vector<512x16xf32>
    %dot_general3A_728 = tpu.matmul %convert_element_type3A_669, %slice3A_726, %dot_general3A_727 {dimension_numbers = #tpu.dot_dimension_numbers<[1], [0], [0], [1], [0, 0, 1, 1], [], []>, transpose_lhs_hint = false} : vector<512x512xf32>, vector<512x16xf32>, vector<512x16xf32> -> vector<512x16xf32>
    %add3A_729 = vector.broadcast %add3A_725 : vector<1x16xf32> to vector<512x16xf32>
    %add3A_730 = arith.addf %dot_general3A_728, %add3A_729 : vector<512x16xf32>
    %reduce_sum3A_731 = arith.constant dense<0.000000e+00> : vector<16xf32>
    %reduce_sum3A_732 = vector.multi_reduction <add>, %slice3A_726, %reduce_sum3A_731 [0] : vector<512x16xf32> to vector<16xf32>
    %broadcast_in_dim3A_733 = vector.shape_cast %reduce_sum3A_732 : vector<16xf32> to vector<1x16xf32>
    %add3A_734 = arith.addf %add3A_725, %broadcast_in_dim3A_733 : vector<1x16xf32>
    %slice3A_735 = vector.extract_strided_slice %convert_element_type3A_664 {offsets = [3584, 0], sizes = [512, 16], strides = [1, 1]} : vector<4096x16xf32> to vector<512x16xf32>
    %dot_general3A_736 = arith.constant dense<0.000000e+00> : vector<512x16xf32>
    %dot_general3A_737 = tpu.matmul %convert_element_type3A_669, %slice3A_735, %dot_general3A_736 {dimension_numbers = #tpu.dot_dimension_numbers<[1], [0], [0], [1], [0, 0, 1, 1], [], []>, transpose_lhs_hint = false} : vector<512x512xf32>, vector<512x16xf32>, vector<512x16xf32> -> vector<512x16xf32>
    %add3A_738 = vector.broadcast %add3A_734 : vector<1x16xf32> to vector<512x16xf32>
    %add3A_739 = arith.addf %dot_general3A_737, %add3A_738 : vector<512x16xf32>
    %concatenate3A_740 = tpu.concatenate %add3A_676, %add3A_685, %add3A_694, %add3A_703, %add3A_712, %add3A_721, %add3A_730, %add3A_739 in 0 : vector<512x16xf32>, vector<512x16xf32>, vector<512x16xf32>, vector<512x16xf32>, vector<512x16xf32>, vector<512x16xf32>, vector<512x16xf32>, vector<512x16xf32> -> vector<4096x16xf32>
    %convert_element_type3A_741 = arith.fptosi %concatenate3A_740 : vector<4096x16xf32> to vector<4096x16xi32>
    %jit3A = arith.constant 1048576 : i32
    %broadcast_in_dim3A_742 = vector.broadcast %jit3A : i32 to vector<4096x16xi32>
    %select_n3A_743 = arith.select %or3A, %convert_element_type3A_741, %broadcast_in_dim3A_742 : vector<4096x16xi1>, vector<4096x16xi32>
    %transpose3A = tpu.transpose %select_n3A_743, [1, 0] : vector<4096x16xi32> -> vector<16x4096xi32>
    %swap3A_744 = arith.constant 0 : index
    %swap3A_745 = arith.constant 0 : index
    %swap3A_746 = arith.constant 0 : index
    %swap3A_747 = arith.constant 0 : index
    %swap3A_748 = vector.load %arg5[%swap3A_744, %swap3A_745, %swap3A_746, %swap3A_747] : memref<1x1x16x4096xi32, #tpu.memory_space<vmem>>, vector<1x1x16x4096xi32>
    %swap3A_749 = vector.shape_cast %swap3A_748 : vector<1x1x16x4096xi32> to vector<16x4096xi32>
    %swap3A_750 = vector.shape_cast %transpose3A : vector<16x4096xi32> to vector<1x1x16x4096xi32>
    tpu.vector_store %arg5[%swap3A_744, %swap3A_745, %swap3A_746, %swap3A_747], %swap3A_750 {strides = array<i32>} : memref<1x1x16x4096xi32, #tpu.memory_space<vmem>>, vector<1x1x16x4096xi32>,
    %reduce_sum3A_751 = arith.constant dense<0.000000e+00> : vector<4096xf32>
    %reduce_sum3A_752 = vector.multi_reduction <add>, %convert_element_type3A_664, %reduce_sum3A_751 [1] : vector<4096x16xf32> to vector<4096xf32>
    %broadcast_in_dim3A_753 = vector.shape_cast %reduce_sum3A_752 : vector<4096xf32> to vector<4096x1xf32>
    %swap3A_754 = arith.constant 0 : index
    %swap3A_755 = arith.constant 0 : index
    %swap3A_756 = arith.constant 0 : index
    %swap3A_757 = arith.constant 0 : index
    %swap3A_758 = vector.load %arg6[%swap3A_754, %swap3A_755, %swap3A_756, %swap3A_757] : memref<1x1x4096x1xf32, #tpu.memory_space<vmem>>, vector<1x1x4096x1xf32>
    %swap3A_759 = vector.shape_cast %swap3A_758 : vector<1x1x4096x1xf32> to vector<4096x1xf32>
    %swap3A_760 = vector.shape_cast %broadcast_in_dim3A_753 : vector<4096x1xf32> to vector<1x1x4096x1xf32>
    tpu.vector_store %arg6[%swap3A_754, %swap3A_755, %swap3A_756, %swap3A_757], %swap3A_760 {strides = array<i32>} : memref<1x1x4096x1xf32, #tpu.memory_space<vmem>>, vector<1x1x4096x1xf32>,
    return
  }
  func.func @transform_0(%arg0: i32, %arg1: i32) -> (i32, i32, i32, i32) {
    %c0_i32 = arith.constant 0 : i32
    %c0_i32_0 = arith.constant 0 : i32
    %c0_i32_1 = arith.constant 0 : i32
    return %arg0, %arg1, %c0_i32, %c0_i32_0 : i32, i32, i32, i32
  }
  func.func @transform_1(%arg0: i32, %arg1: i32) -> (i32, i32, i32, i32) {
    %c0_i32 = arith.constant 0 : i32
    %c0_i32_0 = arith.constant 0 : i32
    %c0_i32_1 = arith.constant 0 : i32
    return %arg0, %arg1, %c0_i32, %c0_i32_0 : i32, i32, i32, i32
  }
  func.func @transform_2(%arg0: i32, %arg1: i32) -> (i32, i32, i32) {
    %c0_i32 = arith.constant 0 : i32
    %c0_i32_0 = arith.constant 0 : i32
    %c0_i32_1 = arith.constant 0 : i32
    return %arg1, %c0_i32, %c0_i32_0 : i32, i32, i32
  }
  func.func @transform_3(%arg0: i32, %arg1: i32) -> (i32, i32, i32, i32) {
    %c0_i32 = arith.constant 0 : i32
    %c0_i32_0 = arith.constant 0 : i32
    %c0_i32_1 = arith.constant 0 : i32
    return %arg0, %arg1, %c0_i32, %c0_i32_0 : i32, i32, i32, i32
  }
  func.func @transform_4(%arg0: i32, %arg1: i32) -> (i32, i32, i32, i32) {
    %c0_i32 = arith.constant 0 : i32
    %c0_i32_0 = arith.constant 0 : i32
    %c0_i32_1 = arith.constant 0 : i32
    return %arg0, %arg1, %c0_i32, %c0_i32_0 : i32, i32, i32, i32
  }
  func.func @transform_5(%arg0: i32, %arg1: i32) -> (i32, i32, i32, i32) {
    %c0_i32 = arith.constant 0 : i32
    %c0_i32_0 = arith.constant 0 : i32
    %c0_i32_1 = arith.constant 0 : i32
    return %arg0, %arg1, %c0_i32, %c0_i32_0 : i32, i32, i32, i32
  }
}

</mosaic_0001>

<sc_bundles>
// kernel: sparse-core-data-format-call.cloned.1.call-start
scs
called_computation_lowered:
.L_overlay_start_0:
0x0: {  	s2 =	sld [smem:$0x3FD9]  }
0x1: {  	s3 =	sld [smem:$0x3FFE];
	_ =	sdelay $0x1  }
0x2: {  	s1 =	srdreg.scid  }
0x3: {  	s0 =	sand.u32 $0x1, s1  }
0x4: {  	s18 =	sshll.u32 s0, $0xA;
	s2 =	sadd.s32 s3, s2  }
0x5: {  	s2 =	sadd.s32 s2, s18  }
0x6: {  	[smem:$0x3FC5] =	sst s2  }
0x7: {  	_ = 	snop  }
0x8: {  	s2 =	sld [smem:$0x3FD0];
	(tm) =	ssettm $0x1  }
0x9: {  	s19 =	sld [smem:$0x3FFB];
	_ =	sdelay $0x3  }
0xa: {  	_ =	strace s19  }
0xb: {  	s3 =	sld [smem:$0x3FFC];
	_ =	sdelay $0x3  }
0xc: {  	_ =	strace s3  }
0xd: {  	s3 =	sld [smem:$0x3FFD];
	_ =	sdelay $0x3  }
0xe: {  	_ =	strace s3  }
0xf: {  	_ =	strace $0x8FFFFFFF  }
0x10: {  	s20 =	sld [smem:$0x3FDB];
	_ =	sdelay $0x1  }
0x11: {  	s4 =	simm.s32 $_scs_section_size  }
0x12: {  	s5 =	simm.s32 $_size__tile_overlayer_lowered;
	s6 =	simm.s32 $_tile_overlayer_lowered  }
0x13: {  	s23 =	simm.s32 $0x1BFF;
	s22 =	sshll.u32 s6, $0x1;
	s3 =	sadd.s32 s4, s20  }
0x14: {  	s7 =	simm.s32 $0x0;
	s21 =	sshll.u32 s5, $0x1;
	s5 =	sadd.s32 s22, s3  }
0x15: {  	[timem:s7], [sflag:s23] =	dma.local [hbm:s5], s21  }
0x16: {  	_ =	swait.ge [sflag:s23], s21  }
0x17: {  	s4 =	ssub.s32 $0x0, s21;
	[sflag:s23] =	ssyncset.done $0x0  }
0x18: {  	[sflag:s23] =	ssyncadd.s32 s4;
	_ =	sdelay $0x1  }
0x19: {  	s24 =	simm.s32 $0x1B8B  }
0x1a: {  	_ =	swait.ge [sflag:s24], $0x1  }
0x1b: {  	[sflag:s24] =	ssyncset.done $0x0  }
0x1c: {  	s26 =	simm.s32 $0x1B8E;
	s25 =	sld [smem:$0x3FFE];
	[sflag:s24] =	ssyncadd.s32 $0xFFFFFFFF  }
0x1d: {  	s27 =	simm.s32 $execute0_lowered;
	[smem:$0x3FD2] =	sst s26  }
0x1e: {  	s5 =	sshll.u32 s27, $0x1;
	_ =	strace $0x80000046;
	[dreg:$0x1] =	wrdreg $0xFFFFFFFF  }
0x1f: {  	s28 =	simm.s32 $_size_execute0_lowered;
	s3 =	sadd.s32 s3, s5;
	[dreg:$0x0] =	wrdreg $0x0  }
0x20: {  	s5 =	sshll.u32 s28, $0x1;
	[dreg:$0x2] =	wrdreg s3  }
0x21: {  	[dreg:$0x3] =	wrdreg s5  }
0x22: {  	[dreg:$0x4] =	wrdreg $0xC0  }
0x23: {  	_ =	task [dreg:s7], $0x5FFFF  }
0x24: {  	[dreg:$0x1] =	wrdreg $0xFFFFFFFF  }
0x25: {  	[dreg:$0x0] =	wrdreg $0x60  }
0x26: {  	[dreg:$0x2] =	wrdreg s25  }
0x27: {  	[dreg:$0x3] =	wrdreg s2  }
0x28: {  	[dreg:$0x4] =	wrdreg $0x9  }
0x29: {  	_ =	task.clear_ibuf [dreg:s7], $0x5FFFF;
	_ =	strace $0x90000046  }
0x2a: {  	s29 =	simm.s32 $0x9;
	_ =	strace $0x80000048  }
0x2b: {  	_ =	swait.ge [sflag:s29], $0x1  }
0x2c: {  	[sflag:s29] =	ssyncadd.s32 $0xFFFFFFFF  }
0x2d: {  	_ =	strace $0x90000048  }
0x2e: {  	_ =	sfence  }
0x2f: {  	s30 =	sld [smem:$0x0];
	_ =	sdelay $0x2  }
0x30: {  	s31 =	sshll.u32 s1, $0xD;
	s1 =	sshrl.u32 s1, $0x2  }
0x31: {  	s3 =	sand.u32 $0x4000, s31;
	s1 =	sadd.s32 s1, s30  }
0x32: {  	s0 =	sor.u32 s3, s0;
	s1 =	sshll.u32 s1, $0x11  }
0x33: {  	s0 =	sor.u32 s1, s0  }
0x34: {  	s0 =	sadd.s32 $0x8F2B, s0  }
0x35: {  	[sflag:s0] =	ssyncadd.remote.s32 $0x1  }
0x36: {  	_ =	sfence.sel $0xFFFF  }
0x37: {  	[dreg:$0x0] =	wrdreg $0xFFFFFFFF;
	(pc) =	sbr.abs _section_cstart, $3  }
0x38: {  	[dreg:$0x1] =	wrdreg $0xFFFFFFFF  }
0x39: {  	_ =	task.clear_ibuf [dreg:s7], $0x2FFFF;
	_ =	strace $0x9FFFFFFF  }
0x3a: {  	(tm) =	ssettm $0x7FFFFFFF  }
0x3b: {  	_ =	shalt  }
tec
execute0_lowered:
.L_overlay_start_1:
0x0: {  	(tag) =	ssettag $0x1  }
0x1: {  	s9 =	rddreg [dreg:$0x0]  }
0x2: {  	s1 =	rddreg [dreg:$0x1];
	s0 =	stileid.u32  }
0x3: {  	s4 =	srdreg.scid;
	s31 =	simm.s32 $0x2;
	s16 =	simm.s32 $0x0  }
0x4: {  	s11 =	simm.s32 $0x8000;
	s17 =	simm.s32 $0x0;
	s18 =	simm.s32 $0x0  }
0x5: {  	s15 =	simm.s32 $0x0;
	s2 =	sand.u32 $0x1, s0;
	s3 =	sand.u32 $0xE, s0  }
0x6: {  	s4 =	sshll.u32 s4, $0x7;
	s5 =	ssub.s32 $0x2, s2;
	s6 =	ssub.s32 $0x10, s3  }
0x7: {  	s4 =	sand.u32 $0x80, s4;
	s13 =	smov.u32 s3;
	s8 =	sand.u32 $0xE, s6  }
0x8: {  	s7 =	sshrl.u32 s5, $0x1;
	p0 =	sne.s32 s8, $0x0;
	s8 =	simm.s32 $0x1  }
0x9: {  	s5 =	sand.u32 $0x1, s5;
	s6 =	sshrl.u32 s6, $0x4;
	s8 =	simm.s32 @!p0 $0x0  }
0xa: {  	s10 =	ssub.s32 $0x1000, s4;
	s5 =	sadd.s32 s5, s7;
	s6 =	sadd.s32 s8, s6  }
0xb: {  	s14 =	smov.u32 s2;
	s28 =	sshrl.u32 s10, $0x7;
	s30 =	smul.u32 s5, s6  }
.Ltmp0:
0xc: {  	s29 =	sshrl.u32 s10, $0x8;
	s7 =	sand.u32 $0x1, s28;
	(pc) =	sbr.rel .LBB1_1-.Ltmp0, $4  }
0xd: {  	s12 =	smov.u32 s4;
	s7 =	sadd.s32 s29, s7;
	s5 =	rddreg [dreg:$0x2]  }
0xe: {  	_ =	strace $0x80000047;
	s6 =	simm.s32 $0x1;
	s7 =	smul.u32 s7, s30  }
0xf: {  	p0 =	por $0x0, $0x0;
	s8 =	sadd.s32 $0x200, s9;
	[sflag:s6] =	ssyncpa.u1 $0x0  }
0x10: {  	s9 =	sadd.s32 $0x10200, s9;
	[sflag:s31] =	ssyncpa.u1 $0x0;
	s10 =	sadd.s32 $0x1, s7  }
.LBB1_7:
0x11: {  	s19 =	sadd.s32 $0x100, s12  }
0x12: {  	s16 =	sadd.s32 $0x10, s13;
	s20 =	smov.u32 s13;
	p2 =	sgt.s32 s19, $0xFFF  }
0x13: {  	s20 =	smov.u32 @p2 s16  }
0x14: {  	s22 =	smov.u32 s14;
	s16 =	sadd.s32 $0x2, s14;
	p3 =	sgt.s32 s20, $0xF  }
0x15: {  	s22 =	smov.u32 @p3 s16  }
0x16: {  	s19 =	smov.u32 @p2 s4;
	p2 =	sgt.s32 s22, $0x1  }
0x17: {  	p1 =	slt.u32 s15, $0x2;
	s22 =	smov.u32 @p2 s2;
	p2 =	sne.s32 s15, s10  }
.Ltmp1:
0x18: {  	s21 =	simm.s32 @!p1 $0x2;
	(pc) =	sbr.rel @!p2 .LBB1_8-.Ltmp1, $4  }
0x19: {  	s17 =	smov.u32 s13;
	s18 =	smov.u32 s14;
	_ =	swait.ge @!p1 [sflag:s21], $0x4000  }
0x1a: {  	p0 =	por !p0, !p0;
	[sflag:s21] =	ssyncset.done @!p1 $0x0;
	s20 =	smov.u32 @p3 s3  }
0x1b: {  	s16 =	smov.u32 s12;
	[sflag:s21] =	ssyncadd.s32 @!p1 $0xFFFFC000;
	s12 =	smov.u32 s19  }
0x1c: {  	s13 =	smov.u32 s20;
	s15 =	sadd.s32 $0x1, s15;
	s14 =	smov.u32 s22  }
.LBB1_1:
0x1d: {  	p1 =	sge.u32 s15, s7  }
0x1e: {  	s19 =	sxor.u32 @!p1 $0xFFFFFFFF, s15;
	s20 =	sshll.u32 @!p1 s14, $0x14  }
0x1f: {  	s21 =	sshll.u32 @!p1 s13, $0x10;
	s23 =	sshll.u32 @!p1 s12, $0x4;
	s24 =	simm.s32 @!p1 $0x40  }
0x20: {  	s25 =	simm.s32 @!p1 $0x80;
	s19 =	sshll.u32 @!p1 s19, $0xE;
	s22 =	sadd.s32 @!p1 s20, s21  }
0x21: {  	s23 =	sand.u32 @!p1 $0xFFF0, s23;
	s20 =	sadd.s32 @!p1 s20, s9;
	s22 =	sadd.s32 @!p1 s8, s22  }
0x22: {  	s19 =	sand.u32 @!p1 $0x4000, s19;
	s20 =	sadd.s32 @!p1 s21, s20;
	s22 =	sadd.s32 @!p1 s23, s22  }
0x23: {  	[tilespmem:s19], [sflag:$0x1] =	stream.strided.gather @!p1 [hbm4b:s22+s24], $0x2000, s25, s24, $0x38;
	[tilespmem:$0x10100] =	vst v63  }
0x24: {  	s31 =	sadd.s32 $0xFFFFFFFF, s15;
	s20 =	sadd.s32 @!p1 s23, s20;
	s19 =	sor.u32 @!p1 $0x2000, s19  }
0x25: {  	[tilespmem:s19], [sflag:$0x1] =	stream.strided.gather @!p1 [hbm4b:s20+s24], $0x2000, s25, s24, $0x38;
	[tilespmem:$0x10100] =	vst v63  }
0x26: {  	p1 =	sge.u32 s31, s7  }
.Ltmp2:
0x27: {  	_ = 	snop;
	(pc) =	sbr.rel @p1 .LBB1_7-.Ltmp2, $1  }
0x28: {  	_ =	sdelay $0x3  }
0x29: {  	s19 =	simm.s32 $0x1;
	s21 =	sand.u32 $0x1, s15  }
0x2a: {  	_ =	swait.ge [sflag:s6], $0x4000;
	s19 =	simm.s32 @!p0 $0x0;
	s21 =	smul.u32 $0x10200, s21  }
0x2b: {  	p2 =	por $0x1, $0x1;
	[sflag:s6] =	ssyncset.done $0x0;
	s20 =	smul.u32 $0x10200, s19  }
0x2c: {  	s22 =	sshll.u32 s19, $0x10;
	[sflag:s6] =	ssyncadd.s32 $0xFFFFC000;
	s30 =	sshrl.u32 s21, $0x2  }
0x2d: {  	s31 =	sshrl.u32 s22, $0x2;
	s22 =	simm.s32 $0x0;
	s20 =	sshrl.u32 s20, $0x2  }
0x2e: {  	s19 =	sor.u32 $0x8000, s30;
	s21 =	sadd.s32 $0x20, s31;
	s20 =	sor.u32 $0x8000, s20  }
.LBB1_3:
0x2f: {  	s23 =	sshll.u32 s22, $0xD  }
0x30: {  	s23 =	sand.u32 $0x3FFFE000, s23  }
0x31: {  	s25 =	sadd.s32 s23, s21  }
0x32: {  	s31 =	smul.u32 $0x8100, s22;
	v3 =	vld [tilespmem:s25+$0x10]  }
0x33: {  	v1 =	vld [tilespmem:s25+$0xFFFFFFF0]  }
0x34: {  	s22 =	sshra.s32 s31, $0x2;
	v0 =	vld [tilespmem:s25+$0x0]  }
0x35: {  	s22 =	sadd.s32 s22, s20;
	v2 =	vld [tilespmem:s25+$0xFFFFFFE0]  }
0x36: {  	s23 =	sadd.s32 $0x0, s22  }
0x37: {  	p1 =	por p2, p2;
	s24 =	simm.s32 $0x4;
	s25 =	sadd.s32 $0x40, s25;
	[tilespmem:s23+$0x1830 ss:$0x81] =	vst.msk $0xffff, v3  }
.LBB1_4:
0x38: {  	v3 =	vld [tilespmem:s25+$0x10];
	p2 =	sne.s32 s24, $0x1FC;
	[tilespmem:s23+$0x810 ss:$0x81] =	vst.msk $0xffff, v1;
	s26 =	smov.u32 s24;
	s24 =	sadd.s32 $0x4, s24  }
.Ltmp3:
0x39: {  	v1 =	vld [tilespmem:s25+$0xFFFFFFF0];
	[tilespmem:s23+$0x1020 ss:$0x81] =	vst.msk $0xffff, v0;
	(pc) =	sbr.rel @p2 .LBB1_4-.Ltmp3, $4  }
0x3a: {  	v0 =	vld [tilespmem:s25+$0x0];
	[tilespmem:s23+$0x0 ss:$0x81] =	vst.msk $0xffff, v2  }
0x3b: {  	s23 =	sshra.s32 s26, $0x2;
	v2 =	vld [tilespmem:s25+$0xFFFFFFE0]  }
0x3c: {  	s23 =	sadd.s32 s23, s22  }
0x3d: {  	s25 =	sadd.s32 $0x40, s25;
	[tilespmem:s23+$0x1830 ss:$0x81] =	vst.msk $0xffff, v3  }
.Ltmp4:
0x3e: {  	(pc) =	sbr.rel @p1 .LBB1_3-.Ltmp4, $4  }
0x3f: {  	_ = 	snop  }
0x40: {  	[tilespmem:s23+$0x810 ss:$0x81] =	vst.msk $0xffff, v1  }
0x41: {  	[tilespmem:s23+$0x1020 ss:$0x81] =	vst.msk $0xffff, v0  }
0x42: {  	s22 =	simm.s32 $0x1;
	p2 =	por $0x0, $0x0;
	[tilespmem:s23+$0x0 ss:$0x81] =	vst.msk $0xffff, v2  }
0x43: {  	s20 =	sshll.u32 s16, $0x3;
	s21 =	sand.u32 $0x78, s16  }
0x44: {  	s18 =	sshll.u32 s18, $0x13;
	s17 =	sshll.u32 s17, $0xF;
	s29 =	sand.u32 $0x7E00, s16  }
.Ltmp5:
0x45: {  	s20 =	sand.u32 $0xC00, s20;
	s18 =	sadd.s32 s1, s18;
	(pc) =	sbr.rel .LBB1_7-.Ltmp5, $4  }
0x46: {  	s30 =	sand.u32 $0x7, s16;
	s20 =	sor.u32 s21, s20;
	s17 =	sadd.s32 s17, s18  }
0x47: {  	s16 =	sshll.u32 s30, $0x12;
	s31 =	sshrl.u32 s20, $0x3;
	s17 =	sadd.s32 s29, s17  }
0x48: {  	s16 =	sor.u32 $0x400, s16;
	s17 =	sadd.s32 s31, s17  }
0x49: {  	[hbm4b:s17+s16] =	stream.strided.scatter [tilespmem:s19], [sflag:$0x2], $0x4000, s11, s16, $0x20;
	[tilespmem:$0x10100] =	vst v63  }
.LBB1_8:
0x4a: {  	_ =	sfence.sel $0x180000  }
0x4b: {  	s1 =	simm.s32 $0x1;
	[bflag:$0x0] =	sbarrier.arrive $0xFFFF  }
0x4c: {  	s31 =	simm.s32 $0x2;
	[sflag:s1] =	ssyncpa.u1 $0x1  }
0x4d: {  	[sflag:s31] =	ssyncpa.u1 $0x1  }
0x4e: {  	p0 =	sne.s32 s0, $0x0;
	_ =	strace $0x90000047  }
0x4f: {  	s0 =	sadd.s32 @!p0 $0x100000, s5;
	[bflag:$0x2] =	sbarrier.arrive $0xFFFF  }
0x50: {  	[sflag:s0] =	ssyncadd.tile.s32 @!p0 $0x1;
	_ =	shalt  }
.Lfunc_end1:
_tile_overlayer_lowered:
.L_overlay_start_2:
0x51: {  	(tag) =	ssettag $0x2  }
0x52: {  	s0 =	rddreg [dreg:$0x0];
	s2 =	stileid.u32  }
0x53: {  	s1 =	rddreg [dreg:$0x1];
	p0 =	sne.s32 s2, $0x0  }
0x54: {  	s3 =	rddreg [dreg:$0x2];
	[bflag:$0x3] =	sbarrier.arrive $0xFFFF;
	s2 =	simm.s32 @!p0 $0x1C01  }
0x55: {  	[timem:s3], [sflag:s2] =	dma.local @!p0 [hbm:s0], s1  }
0x56: {  	s0 =	simm.s32 @!p0 $0x1  }
0x57: {  	_ =	swait.ge @!p0 [sflag:s0], s1  }
0x58: {  	s1 =	ssub.s32 @!p0 $0x0, s1;
	[sflag:s0] =	ssyncset.done @!p0 $0x0  }
0x59: {  	[sflag:s0] =	ssyncadd.s32 @!p0 s1  }
0x5a: {  	[bflag:$0x3] =	sbarrier.arrive $0xFFFF  }
0x5b: {  	_ =	shalt  }

</sc_bundles>
